<compile_context>
chip_gen: v7x
topology: tpu7x:2x2x1
jax: 0.10.2.dev20260603
libtpu: 0.0.44.dev20260713+nightly
codegen_flags: <defaults>
</compile_context>

<pallas_src>
import functools

import jax
import jax.numpy as jnp
from jax import lax
from jax.experimental import pallas as pl
from jax.experimental.pallas import tpu as pltpu
from jax.experimental.pallas import tpu_sc as plsc

NC = 2
NS = 16
C = 128
LANES = 16


def _matmul_body(x_ref, wd_ref, w2_ref, b_ref, p_ref, q_ref):
    xb = x_ref[...]
    h = xb.shape[1] // 2
    p = jnp.dot(xb, wd_ref[...], preferred_element_type=jnp.float32) + b_ref[...]
    q = jnp.dot(xb, w2_ref[...], preferred_element_type=jnp.float32)
    p_ref[:, 0, :] = p[:, :h]
    p_ref[:, 1, :] = p[:, h:]
    q_ref[:, 0, :] = q[:, :h]
    q_ref[:, 1, :] = q[:, h:]


def _combine_body(acc_ref, cnt_ref, o_ref):
    h = acc_ref.shape[2]
    r = 1.0 / jnp.maximum(cnt_ref[0, :, 0:1], 1.0)
    o_ref[:, :h] = acc_ref[0] * r
    o_ref[:, h:] = acc_ref[1] * r


def _make_sc_kernel(n_pad, d, chunks):
    rpt = n_pad // NS
    h = d // 2
    nj = h // LANES

    mesh = plsc.VectorSubcoreMesh(core_axis_name="c", subcore_axis_name="s")

    @functools.partial(
        pl.kernel,
        out_type=(
            jax.ShapeDtypeStruct((NC, n_pad, h), jnp.float32),
            jax.ShapeDtypeStruct((NC, n_pad, LANES), jnp.float32),
        ),
        mesh=mesh,
        scratch_types=[
            pltpu.VMEM((C,), jnp.int32),
            pltpu.VMEM((C,), jnp.int32),
            pltpu.VMEM((C,), jnp.int32),
            pltpu.VMEM((C,), jnp.int32),
            pltpu.VMEM((C, h), jnp.float32),
            pltpu.VMEM((C, h), jnp.float32),
            pltpu.VMEM((C, LANES), jnp.float32),
            pltpu.VMEM((C, LANES), jnp.float32),
            pltpu.VMEM_SHARED((n_pad, h), jnp.float32),
            pltpu.VMEM_SHARED((n_pad, LANES), jnp.float32),
            pltpu.SemaphoreType.DMA,
            pltpu.SemaphoreType.DMA,
        ],
        compiler_params=pltpu.CompilerParams(use_tc_tiling_on_sc=False),
    )
    def sc_kernel(p_hbm, q_hbm, row_hbm, col_hbm, acc_out, cnt_out,
                  ridx, cidx, gidx_r, gidx_c, bufp, bufq, ones_v, z16,
                  acc_sh, cnt_sh, sem_p, sem_q):
        cid = lax.axis_index("c")
        sid = lax.axis_index("s")

        zero = jnp.zeros((LANES,), jnp.float32)
        one = jnp.ones((LANES,), jnp.float32)

        def fill_row(r_, _):
            for j in range(nj):
                bufp[r_, pl.ds(j * LANES, LANES)] = zero
            ones_v[r_, pl.ds(0, LANES)] = one
            z16[r_, pl.ds(0, LANES)] = zero
            return 0

        lax.fori_loop(0, C, fill_row, 0)

        def zero_acc(k, _):
            r0 = sid * rpt + k * C
            pltpu.sync_copy(bufp, acc_sh.at[pl.ds(r0, C)])
            pltpu.sync_copy(z16, cnt_sh.at[pl.ds(r0, C)])
            return 0

        lax.fori_loop(0, rpt // C, zero_acc, 0)
        plsc.subcore_barrier()

        base = sid * chunks * C

        def do_chunk(k, _):
            off = base + k * C
            pltpu.sync_copy(row_hbm.at[pl.ds(off, C)], ridx)
            pltpu.sync_copy(col_hbm.at[pl.ds(off, C)], cidx)
            for j in range(C // LANES):
                sl = pl.ds(j * LANES, LANES)
                gidx_r[sl] = ridx[sl] * 2 + cid
                gidx_c[sl] = cidx[sl] * 2 + cid
            cp = pltpu.async_copy(p_hbm.at[gidx_r], bufp, sem_p)
            cq = pltpu.async_copy(q_hbm.at[gidx_c], bufq, sem_q)
            cp.wait()
            cq.wait()

            def relu_row(e, _):
                for j in range(nj):
                    sl = pl.ds(j * LANES, LANES)
                    bufp[e, sl] = jnp.maximum(bufp[e, sl] + bufq[e, sl], 0.0)
                return 0

            lax.fori_loop(0, C, relu_row, 0)
            pltpu.sync_copy(bufp, acc_sh.at[ridx], add=True)
            pltpu.sync_copy(ones_v, cnt_sh.at[ridx], add=True)
            return 0

        lax.fori_loop(0, chunks, do_chunk, 0)
        plsc.subcore_barrier()

        def write_out(k, _):
            r0 = sid * rpt + k * C
            pltpu.sync_copy(acc_sh.at[pl.ds(r0, C)], bufp)
            pltpu.sync_copy(bufp, acc_out.at[cid, pl.ds(r0, C)])
            pltpu.sync_copy(cnt_sh.at[pl.ds(r0, C)], z16)
            pltpu.sync_copy(z16, cnt_out.at[cid, pl.ds(r0, C)])
            return 0

        lax.fori_loop(0, rpt // C, write_out, 0)

    return sc_kernel


def kernel(x, edge_index, W, b):
    n, d = x.shape
    e = edge_index.shape[1]

    n_pad = ((n + 1 + NS * C - 1) // (NS * C)) * (NS * C)
    chunks = (e + NS * C - 1) // (NS * C)
    e_pad = chunks * NS * C

    wd = W[:d] - W[d:]
    w2 = W[d:]
    b2d = b[None, :]

    x_pad = jnp.pad(x, ((0, n_pad - n), (0, 0)))
    row_p = jnp.concatenate(
        [edge_index[0], jnp.full((e_pad - e,), n, dtype=jnp.int32)])
    col_p = jnp.concatenate(
        [edge_index[1], jnp.full((e_pad - e,), n, dtype=jnp.int32)])

    blk = 2048
    grid = n_pad // blk
    hw = d // 2
    p_tab, q_tab = pl.pallas_call(
        _matmul_body,
        grid=(grid,),
        in_specs=[
            pl.BlockSpec((blk, d), lambda i: (i, 0)),
            pl.BlockSpec((d, d), lambda i: (0, 0)),
            pl.BlockSpec((d, d), lambda i: (0, 0)),
            pl.BlockSpec((1, d), lambda i: (0, 0)),
        ],
        out_specs=[
            pl.BlockSpec((blk, NC, hw), lambda i: (i, 0, 0)),
            pl.BlockSpec((blk, NC, hw), lambda i: (i, 0, 0)),
        ],
        out_shape=[
            jax.ShapeDtypeStruct((n_pad, NC, hw), jnp.float32),
            jax.ShapeDtypeStruct((n_pad, NC, hw), jnp.float32),
        ],
    )(x_pad, wd, w2, b2d)
    p2 = p_tab.reshape(NC * n_pad, hw)
    q2 = q_tab.reshape(NC * n_pad, hw)

    sc_kernel = _make_sc_kernel(n_pad, d, chunks)
    acc, cnt = sc_kernel(p2, q2, row_p, col_p)

    out_pad = pl.pallas_call(
        _combine_body,
        grid=(grid,),
        in_specs=[
            pl.BlockSpec((NC, blk, hw), lambda i: (0, i, 0)),
            pl.BlockSpec((NC, blk, LANES), lambda i: (0, i, 0)),
        ],
        out_specs=pl.BlockSpec((blk, d), lambda i: (i, 0)),
        out_shape=jax.ShapeDtypeStruct((n_pad, d), jnp.float32),
    )(acc, cnt)

    return out_pad[:n]

# --- scband reference (transcript-rebuilt; emitter-appended) ---
"""Pipeline reference for scband-custom-static-edge-conv-996432413183 (READ-ONLY COPY).

The authoritative reference and input builder live on the scoring server;
editing this copy changes nothing except your own understanding.
"""

import jax, jax.numpy as jnp
import numpy as np

N = 10000
E = 320000
D = 128

def setup_inputs(seed: int = 0) -> dict:
    key = jax.random.key(seed)
    k1, k2, k3 = jax.random.split(key, 3)
    x = jax.random.normal(k1, (N, D), dtype=jnp.float32)
    edge_index = jax.random.randint(k2, (2, E), 0, N, dtype=jnp.int32)
    # nn_module = Linear(2*D -> D) + ReLU; materialize its parameters
    W = jax.random.normal(k3, (2 * D, D), dtype=jnp.float32) * (1.0 / np.sqrt(2 * D))
    b = jnp.zeros((D,), dtype=jnp.float32)
    return {"x": x, "edge_index": edge_index, "W": W, "b": b}

def reference(x, edge_index, W, b):
    row = edge_index[0]
    col = edge_index[1]
    x_center = x[row]
    x_neighbor = x[col]
    edge_features = jnp.concatenate([x_center, x_neighbor - x_center], axis=-1)
    edge_features = jax.nn.relu(edge_features @ W + b)
    num_nodes = x.shape[0]
    node_features = jnp.zeros((num_nodes, edge_features.shape[-1]), dtype=edge_features.dtype)
    node_features = node_features.at[row].add(edge_features)
    counts = jnp.clip(jnp.bincount(row, length=num_nodes), 1).astype(node_features.dtype)
    node_features = node_features / counts[:, None]
    return node_features

if __name__ == "__main__":
    import jax
    _d = setup_inputs()
    print(jax.jit(kernel)(*tuple(_d.values())))

</pallas_src>

<mosaic_0001>
#map = affine_map<(d0, d1) -> (0, 0)>
#map1 = affine_map<(d0, d1) -> (0)>
#map2 = affine_map<(d0, d1) -> (0, 0, 0)>
module attributes {stable_mosaic.version = 14 : i64} {
  func.func @sc_kernel(%arg0: i32, %arg1: i32, %arg2: memref<20480x64xf32, #tpu.memory_space<hbm>>, %arg3: memref<20480x64xf32, #tpu.memory_space<hbm>>, %arg4: memref<321536xi32, #tpu.memory_space<hbm>>, %arg5: memref<321536xi32, #tpu.memory_space<hbm>>, %arg6: memref<2x10240x64xf32, #tpu.memory_space<hbm>>, %arg7: memref<2x10240x16xf32, #tpu.memory_space<hbm>>, %arg8: memref<128xi32, #tpu.memory_space<vmem>>, %arg9: memref<128xi32, #tpu.memory_space<vmem>>, %arg10: memref<128xi32, #tpu.memory_space<vmem>>, %arg11: memref<128xi32, #tpu.memory_space<vmem>>, %arg12: memref<128x64xf32, #tpu.memory_space<vmem>>, %arg13: memref<128x64xf32, #tpu.memory_space<vmem>>, %arg14: memref<128x16xf32, #tpu.memory_space<vmem>>, %arg15: memref<128x16xf32, #tpu.memory_space<vmem>>, %arg16: memref<10240x64xf32, #tpu.memory_space<vmem_shared>>, %arg17: memref<10240x16xf32, #tpu.memory_space<vmem_shared>>, %arg18: memref<!tpu.dma_semaphore, #tpu.memory_space<semaphore_mem>>, %arg19: memref<!tpu.dma_semaphore, #tpu.memory_space<semaphore_mem>>) attributes {dimension_semantics = [#tpu.dimension_semantics<core_parallel>, #tpu.dimension_semantics<subcore_parallel>], iteration_bounds = array<i64: 2, 16>, scalar_prefetch = 0 : i64, scratch_operands = 12 : i64, tpu.core_type = #tpu.core_type<sc_vector_subcore>, window_params = [{transform_indices = #map}, {transform_indices = #map}, {transform_indices = #map1}, {transform_indices = #map1}, {transform_indices = #map2}, {transform_indices = #map2}]} {
    %broadcast_in_dim3A = arith.constant 0.000000e+00 : f32
    %broadcast_in_dim3A_0 = vector.broadcast %broadcast_in_dim3A : f32 to vector<16xf32>
    %broadcast_in_dim3A_1 = arith.constant 1.000000e+00 : f32
    %broadcast_in_dim3A_2 = vector.broadcast %broadcast_in_dim3A_1 : f32 to vector<16xf32>
    %scan3A = arith.constant 0 : i32
    %scan3A_3 = arith.constant 0 : i32
    %scan3A_4 = arith.constant 128 : i32
    %scan3A_5 = arith.addi %scan3A_3, %scan3A_4 : i32
    %scan3A_6 = arith.constant 1 : i32
    %scan3A_7 = scf.for %scan3A_34 = %scan3A_3 to %scan3A_5 step %scan3A_6 iter_args(%scan3A_35 = %scan3A) -> (i32)  : i32 {
      %swap3A = arith.index_cast %scan3A_34 : i32 to index
      %swap3A_36 = arith.constant 0 : index
      %swap3A_37 = tpu.vector_load %arg12[%swap3A, %swap3A_36] {strides = array<i32>} : memref<128x64xf32, #tpu.memory_space<vmem>>, vector<1x16xf32>,
      %swap3A_38 = vector.shape_cast %swap3A_37 : vector<1x16xf32> to vector<16xf32>
      %swap3A_39 = vector.shape_cast %broadcast_in_dim3A_0 : vector<16xf32> to vector<1x16xf32>
      tpu.vector_store %arg12[%swap3A, %swap3A_36], %swap3A_39 {strides = array<i32>} : memref<128x64xf32, #tpu.memory_space<vmem>>, vector<1x16xf32>,
      %swap3A_40 = arith.index_cast %scan3A_34 : i32 to index
      %swap3A_41 = arith.constant 16 : index
      %swap3A_42 = tpu.vector_load %arg12[%swap3A_40, %swap3A_41] {strides = array<i32>} : memref<128x64xf32, #tpu.memory_space<vmem>>, vector<1x16xf32>,
      %swap3A_43 = vector.shape_cast %swap3A_42 : vector<1x16xf32> to vector<16xf32>
      %swap3A_44 = vector.shape_cast %broadcast_in_dim3A_0 : vector<16xf32> to vector<1x16xf32>
      tpu.vector_store %arg12[%swap3A_40, %swap3A_41], %swap3A_44 {strides = array<i32>} : memref<128x64xf32, #tpu.memory_space<vmem>>, vector<1x16xf32>,
      %swap3A_45 = arith.index_cast %scan3A_34 : i32 to index
      %swap3A_46 = arith.constant 32 : index
      %swap3A_47 = tpu.vector_load %arg12[%swap3A_45, %swap3A_46] {strides = array<i32>} : memref<128x64xf32, #tpu.memory_space<vmem>>, vector<1x16xf32>,
      %swap3A_48 = vector.shape_cast %swap3A_47 : vector<1x16xf32> to vector<16xf32>
      %swap3A_49 = vector.shape_cast %broadcast_in_dim3A_0 : vector<16xf32> to vector<1x16xf32>
      tpu.vector_store %arg12[%swap3A_45, %swap3A_46], %swap3A_49 {strides = array<i32>} : memref<128x64xf32, #tpu.memory_space<vmem>>, vector<1x16xf32>,
      %swap3A_50 = arith.index_cast %scan3A_34 : i32 to index
      %swap3A_51 = arith.constant 48 : index
      %swap3A_52 = tpu.vector_load %arg12[%swap3A_50, %swap3A_51] {strides = array<i32>} : memref<128x64xf32, #tpu.memory_space<vmem>>, vector<1x16xf32>,
      %swap3A_53 = vector.shape_cast %swap3A_52 : vector<1x16xf32> to vector<16xf32>
      %swap3A_54 = vector.shape_cast %broadcast_in_dim3A_0 : vector<16xf32> to vector<1x16xf32>
      tpu.vector_store %arg12[%swap3A_50, %swap3A_51], %swap3A_54 {strides = array<i32>} : memref<128x64xf32, #tpu.memory_space<vmem>>, vector<1x16xf32>,
      %swap3A_55 = arith.index_cast %scan3A_34 : i32 to index
      %swap3A_56 = arith.constant 0 : index
      %swap3A_57 = tpu.vector_load %arg14[%swap3A_55, %swap3A_56] {strides = array<i32>} : memref<128x16xf32, #tpu.memory_space<vmem>>, vector<1x16xf32>,
      %swap3A_58 = vector.shape_cast %swap3A_57 : vector<1x16xf32> to vector<16xf32>
      %swap3A_59 = vector.shape_cast %broadcast_in_dim3A_2 : vector<16xf32> to vector<1x16xf32>
      tpu.vector_store %arg14[%swap3A_55, %swap3A_56], %swap3A_59 {strides = array<i32>} : memref<128x16xf32, #tpu.memory_space<vmem>>, vector<1x16xf32>,
      %swap3A_60 = arith.index_cast %scan3A_34 : i32 to index
      %swap3A_61 = arith.constant 0 : index
      %swap3A_62 = tpu.vector_load %arg15[%swap3A_60, %swap3A_61] {strides = array<i32>} : memref<128x16xf32, #tpu.memory_space<vmem>>, vector<1x16xf32>,
      %swap3A_63 = vector.shape_cast %swap3A_62 : vector<1x16xf32> to vector<16xf32>
      %swap3A_64 = vector.shape_cast %broadcast_in_dim3A_0 : vector<16xf32> to vector<1x16xf32>
      tpu.vector_store %arg15[%swap3A_60, %swap3A_61], %swap3A_64 {strides = array<i32>} : memref<128x16xf32, #tpu.memory_space<vmem>>, vector<1x16xf32>,
      %scan3A_65 = arith.constant 0 : i32
      scf.yield %scan3A_65 : i32
    }
    %scan3A_8 = arith.constant 128 : i32
    %scan3A_9 = arith.constant 0 : i32
    %scan3A_10 = arith.constant 0 : i32
    %scan3A_11 = arith.constant 5 : i32
    %scan3A_12 = arith.addi %scan3A_10, %scan3A_11 : i32
    %scan3A_13 = arith.constant 1 : i32
    %scan3A_14 = scf.for %scan3A_34 = %scan3A_10 to %scan3A_12 step %scan3A_13 iter_args(%scan3A_35 = %scan3A_9) -> (i32)  : i32 {
      %mul3A_36 = arith.constant 640 : i32
      %mul3A_37 = arith.muli %arg1, %mul3A_36 : i32
      %mul3A_38 = arith.constant 128 : i32
      %mul3A_39 = arith.muli %scan3A_34, %mul3A_38 : i32
      %add3A = arith.addi %mul3A_37, %mul3A_39 : i32
      "tpu.region"() ({
        %run_scoped3A = tpu.sem_alloc : memref<!tpu.dma_semaphore, #tpu.memory_space<semaphore_mem>>
        %dma_start3A = arith.constant 0 : i32
        %dma_start3A_41 = tpu.memref_slice %arg16[%add3A, %dma_start3A] : memref<10240x64xf32, #tpu.memory_space<vmem_shared>> -> memref<128x64xf32, #tpu.memory_space<vmem_shared>>
        %dma_start3A_42 = arith.constant 0 : i32
        %dma_start3A_43 = tpu.memref_slice %arg16[%add3A, %dma_start3A_42] : memref<10240x64xf32, #tpu.memory_space<vmem_shared>> -> memref<128x64xf32, #tpu.memory_space<vmem_shared>>
        tpu.enqueue_dma source(%arg12 : memref<128x64xf32, #tpu.memory_space<vmem>>) target(%dma_start3A_43 : memref<128x64xf32, #tpu.memory_space<vmem_shared>>) target_semaphore(%run_scoped3A : memref<!tpu.dma_semaphore, #tpu.memory_space<semaphore_mem>>)
        %dma_wait3A = arith.constant 0 : i32
        %dma_wait3A_44 = tpu.memref_slice %arg16[%add3A, %dma_wait3A] : memref<10240x64xf32, #tpu.memory_space<vmem_shared>> -> memref<128x64xf32, #tpu.memory_space<vmem_shared>>
        %dma_wait3A_45 = arith.constant 0 : i32
        %dma_wait3A_46 = tpu.memref_slice %arg16[%add3A, %dma_wait3A_45] : memref<10240x64xf32, #tpu.memory_space<vmem_shared>> -> memref<128x64xf32, #tpu.memory_space<vmem_shared>>
        tpu.wait_dma2 semaphore(%run_scoped3A : memref<!tpu.dma_semaphore, #tpu.memory_space<semaphore_mem>>) src(%arg12 : memref<128x64xf32, #tpu.memory_space<vmem>>) dst(%dma_wait3A_46 : memref<128x64xf32, #tpu.memory_space<vmem_shared>>)
        tpu.yield
      }) : () -> ()
      "tpu.region"() ({
        %run_scoped3A = tpu.sem_alloc : memref<!tpu.dma_semaphore, #tpu.memory_space<semaphore_mem>>
        %dma_start3A = arith.constant 0 : i32
        %dma_start3A_41 = tpu.memref_slice %arg17[%add3A, %dma_start3A] : memref<10240x16xf32, #tpu.memory_space<vmem_shared>> -> memref<128x16xf32, #tpu.memory_space<vmem_shared>>
        %dma_start3A_42 = arith.constant 0 : i32
        %dma_start3A_43 = tpu.memref_slice %arg17[%add3A, %dma_start3A_42] : memref<10240x16xf32, #tpu.memory_space<vmem_shared>> -> memref<128x16xf32, #tpu.memory_space<vmem_shared>>
        tpu.enqueue_dma source(%arg15 : memref<128x16xf32, #tpu.memory_space<vmem>>) target(%dma_start3A_43 : memref<128x16xf32, #tpu.memory_space<vmem_shared>>) target_semaphore(%run_scoped3A : memref<!tpu.dma_semaphore, #tpu.memory_space<semaphore_mem>>)
        %dma_wait3A = arith.constant 0 : i32
        %dma_wait3A_44 = tpu.memref_slice %arg17[%add3A, %dma_wait3A] : memref<10240x16xf32, #tpu.memory_space<vmem_shared>> -> memref<128x16xf32, #tpu.memory_space<vmem_shared>>
        %dma_wait3A_45 = arith.constant 0 : i32
        %dma_wait3A_46 = tpu.memref_slice %arg17[%add3A, %dma_wait3A_45] : memref<10240x16xf32, #tpu.memory_space<vmem_shared>> -> memref<128x16xf32, #tpu.memory_space<vmem_shared>>
        tpu.wait_dma2 semaphore(%run_scoped3A : memref<!tpu.dma_semaphore, #tpu.memory_space<semaphore_mem>>) src(%arg15 : memref<128x16xf32, #tpu.memory_space<vmem>>) dst(%dma_wait3A_46 : memref<128x16xf32, #tpu.memory_space<vmem_shared>>)
        tpu.yield
      }) : () -> ()
      %scan3A_40 = arith.constant 0 : i32
      scf.yield %scan3A_40 : i32
    }
    %scan3A_15 = arith.constant 5 : i32
    %barrier3A = arith.constant 0 : index
    tpu.barrier barrier_id(%barrier3A)
    %mul3A = arith.constant 157 : i32
    %mul3A_16 = arith.muli %arg1, %mul3A : i32
    %mul3A_17 = arith.constant 128 : i32
    %mul3A_18 = arith.muli %mul3A_16, %mul3A_17 : i32
    %scan3A_19 = arith.constant 0 : i32
    %scan3A_20 = arith.constant 0 : i32
    %scan3A_21 = arith.constant 157 : i32
    %scan3A_22 = arith.addi %scan3A_20, %scan3A_21 : i32
    %scan3A_23 = arith.constant 1 : i32
    %scan3A_24 = scf.for %scan3A_34 = %scan3A_20 to %scan3A_22 step %scan3A_23 iter_args(%scan3A_35 = %scan3A_19) -> (i32)  : i32 {
      %mul3A_36 = arith.constant 128 : i32
      %mul3A_37 = arith.muli %scan3A_34, %mul3A_36 : i32
      %add3A = arith.addi %mul3A_18, %mul3A_37 : i32
      "tpu.region"() ({
        %run_scoped3A = tpu.sem_alloc : memref<!tpu.dma_semaphore, #tpu.memory_space<semaphore_mem>>
        %dma_start3A_246 = tpu.memref_slice %arg4[%add3A] : memref<321536xi32, #tpu.memory_space<hbm>> -> memref<128xi32, #tpu.memory_space<hbm>>
        %dma_start3A_247 = tpu.memref_slice %arg4[%add3A] : memref<321536xi32, #tpu.memory_space<hbm>> -> memref<128xi32, #tpu.memory_space<hbm>>
        tpu.enqueue_dma source(%dma_start3A_247 : memref<128xi32, #tpu.memory_space<hbm>>) target(%arg8 : memref<128xi32, #tpu.memory_space<vmem>>) target_semaphore(%run_scoped3A : memref<!tpu.dma_semaphore, #tpu.memory_space<semaphore_mem>>)
        %dma_wait3A_248 = tpu.memref_slice %arg4[%add3A] : memref<321536xi32, #tpu.memory_space<hbm>> -> memref<128xi32, #tpu.memory_space<hbm>>
        %dma_wait3A_249 = tpu.memref_slice %arg4[%add3A] : memref<321536xi32, #tpu.memory_space<hbm>> -> memref<128xi32, #tpu.memory_space<hbm>>
        tpu.wait_dma2 semaphore(%run_scoped3A : memref<!tpu.dma_semaphore, #tpu.memory_space<semaphore_mem>>) src(%dma_wait3A_249 : memref<128xi32, #tpu.memory_space<hbm>>) dst(%arg8 : memref<128xi32, #tpu.memory_space<vmem>>)
        tpu.yield
      }) : () -> ()
      "tpu.region"() ({
        %run_scoped3A = tpu.sem_alloc : memref<!tpu.dma_semaphore, #tpu.memory_space<semaphore_mem>>
        %dma_start3A_246 = tpu.memref_slice %arg5[%add3A] : memref<321536xi32, #tpu.memory_space<hbm>> -> memref<128xi32, #tpu.memory_space<hbm>>
        %dma_start3A_247 = tpu.memref_slice %arg5[%add3A] : memref<321536xi32, #tpu.memory_space<hbm>> -> memref<128xi32, #tpu.memory_space<hbm>>
        tpu.enqueue_dma source(%dma_start3A_247 : memref<128xi32, #tpu.memory_space<hbm>>) target(%arg9 : memref<128xi32, #tpu.memory_space<vmem>>) target_semaphore(%run_scoped3A : memref<!tpu.dma_semaphore, #tpu.memory_space<semaphore_mem>>)
        %dma_wait3A_248 = tpu.memref_slice %arg5[%add3A] : memref<321536xi32, #tpu.memory_space<hbm>> -> memref<128xi32, #tpu.memory_space<hbm>>
        %dma_wait3A_249 = tpu.memref_slice %arg5[%add3A] : memref<321536xi32, #tpu.memory_space<hbm>> -> memref<128xi32, #tpu.memory_space<hbm>>
        tpu.wait_dma2 semaphore(%run_scoped3A : memref<!tpu.dma_semaphore, #tpu.memory_space<semaphore_mem>>) src(%dma_wait3A_249 : memref<128xi32, #tpu.memory_space<hbm>>) dst(%arg9 : memref<128xi32, #tpu.memory_space<vmem>>)
        tpu.yield
      }) : () -> ()
      %get3A = arith.constant 0 : index
      %get3A_38 = tpu.vector_load %arg8[%get3A] {strides = array<i32>} : memref<128xi32, #tpu.memory_space<vmem>>, vector<16xi32>,
      %get3A_39 = vector.shape_cast %get3A_38 : vector<16xi32> to vector<16xi32>
      %mul3A_40 = arith.constant 2 : i32
      %mul3A_41 = vector.broadcast %mul3A_40 : i32 to vector<16xi32>
      %mul3A_42 = arith.muli %get3A_39, %mul3A_41 : vector<16xi32>
      %add3A_43 = vector.broadcast %arg0 : i32 to vector<16xi32>
      %add3A_44 = arith.addi %mul3A_42, %add3A_43 : vector<16xi32>
      %swap3A = arith.constant 0 : index
      %swap3A_45 = tpu.vector_load %arg10[%swap3A] {strides = array<i32>} : memref<128xi32, #tpu.memory_space<vmem>>, vector<16xi32>,
      %swap3A_46 = vector.shape_cast %swap3A_45 : vector<16xi32> to vector<16xi32>
      %swap3A_47 = vector.shape_cast %add3A_44 : vector<16xi32> to vector<16xi32>
      tpu.vector_store %arg10[%swap3A], %swap3A_47 {strides = array<i32>} : memref<128xi32, #tpu.memory_space<vmem>>, vector<16xi32>,
      %get3A_48 = arith.constant 0 : index
      %get3A_49 = tpu.vector_load %arg9[%get3A_48] {strides = array<i32>} : memref<128xi32, #tpu.memory_space<vmem>>, vector<16xi32>,
      %get3A_50 = vector.shape_cast %get3A_49 : vector<16xi32> to vector<16xi32>
      %mul3A_51 = arith.constant 2 : i32
      %mul3A_52 = vector.broadcast %mul3A_51 : i32 to vector<16xi32>
      %mul3A_53 = arith.muli %get3A_50, %mul3A_52 : vector<16xi32>
      %add3A_54 = vector.broadcast %arg0 : i32 to vector<16xi32>
      %add3A_55 = arith.addi %mul3A_53, %add3A_54 : vector<16xi32>
      %swap3A_56 = arith.constant 0 : index
      %swap3A_57 = tpu.vector_load %arg11[%swap3A_56] {strides = array<i32>} : memref<128xi32, #tpu.memory_space<vmem>>, vector<16xi32>,
      %swap3A_58 = vector.shape_cast %swap3A_57 : vector<16xi32> to vector<16xi32>
      %swap3A_59 = vector.shape_cast %add3A_55 : vector<16xi32> to vector<16xi32>
      tpu.vector_store %arg11[%swap3A_56], %swap3A_59 {strides = array<i32>} : memref<128xi32, #tpu.memory_space<vmem>>, vector<16xi32>,
      %get3A_60 = arith.constant 16 : index
      %get3A_61 = tpu.vector_load %arg8[%get3A_60] {strides = array<i32>} : memref<128xi32, #tpu.memory_space<vmem>>, vector<16xi32>,
      %get3A_62 = vector.shape_cast %get3A_61 : vector<16xi32> to vector<16xi32>
      %mul3A_63 = arith.constant 2 : i32
      %mul3A_64 = vector.broadcast %mul3A_63 : i32 to vector<16xi32>
      %mul3A_65 = arith.muli %get3A_62, %mul3A_64 : vector<16xi32>
      %add3A_66 = vector.broadcast %arg0 : i32 to vector<16xi32>
      %add3A_67 = arith.addi %mul3A_65, %add3A_66 : vector<16xi32>
      %swap3A_68 = arith.constant 16 : index
      %swap3A_69 = tpu.vector_load %arg10[%swap3A_68] {strides = array<i32>} : memref<128xi32, #tpu.memory_space<vmem>>, vector<16xi32>,
      %swap3A_70 = vector.shape_cast %swap3A_69 : vector<16xi32> to vector<16xi32>
      %swap3A_71 = vector.shape_cast %add3A_67 : vector<16xi32> to vector<16xi32>
      tpu.vector_store %arg10[%swap3A_68], %swap3A_71 {strides = array<i32>} : memref<128xi32, #tpu.memory_space<vmem>>, vector<16xi32>,
      %get3A_72 = arith.constant 16 : index
      %get3A_73 = tpu.vector_load %arg9[%get3A_72] {strides = array<i32>} : memref<128xi32, #tpu.memory_space<vmem>>, vector<16xi32>,
      %get3A_74 = vector.shape_cast %get3A_73 : vector<16xi32> to vector<16xi32>
      %mul3A_75 = arith.constant 2 : i32
      %mul3A_76 = vector.broadcast %mul3A_75 : i32 to vector<16xi32>
      %mul3A_77 = arith.muli %get3A_74, %mul3A_76 : vector<16xi32>
      %add3A_78 = vector.broadcast %arg0 : i32 to vector<16xi32>
      %add3A_79 = arith.addi %mul3A_77, %add3A_78 : vector<16xi32>
      %swap3A_80 = arith.constant 16 : index
      %swap3A_81 = tpu.vector_load %arg11[%swap3A_80] {strides = array<i32>} : memref<128xi32, #tpu.memory_space<vmem>>, vector<16xi32>,
      %swap3A_82 = vector.shape_cast %swap3A_81 : vector<16xi32> to vector<16xi32>
      %swap3A_83 = vector.shape_cast %add3A_79 : vector<16xi32> to vector<16xi32>
      tpu.vector_store %arg11[%swap3A_80], %swap3A_83 {strides = array<i32>} : memref<128xi32, #tpu.memory_space<vmem>>, vector<16xi32>,
      %get3A_84 = arith.constant 32 : index
      %get3A_85 = tpu.vector_load %arg8[%get3A_84] {strides = array<i32>} : memref<128xi32, #tpu.memory_space<vmem>>, vector<16xi32>,
      %get3A_86 = vector.shape_cast %get3A_85 : vector<16xi32> to vector<16xi32>
      %mul3A_87 = arith.constant 2 : i32
      %mul3A_88 = vector.broadcast %mul3A_87 : i32 to vector<16xi32>
      %mul3A_89 = arith.muli %get3A_86, %mul3A_88 : vector<16xi32>
      %add3A_90 = vector.broadcast %arg0 : i32 to vector<16xi32>
      %add3A_91 = arith.addi %mul3A_89, %add3A_90 : vector<16xi32>
      %swap3A_92 = arith.constant 32 : index
      %swap3A_93 = tpu.vector_load %arg10[%swap3A_92] {strides = array<i32>} : memref<128xi32, #tpu.memory_space<vmem>>, vector<16xi32>,
      %swap3A_94 = vector.shape_cast %swap3A_93 : vector<16xi32> to vector<16xi32>
      %swap3A_95 = vector.shape_cast %add3A_91 : vector<16xi32> to vector<16xi32>
      tpu.vector_store %arg10[%swap3A_92], %swap3A_95 {strides = array<i32>} : memref<128xi32, #tpu.memory_space<vmem>>, vector<16xi32>,
      %get3A_96 = arith.constant 32 : index
      %get3A_97 = tpu.vector_load %arg9[%get3A_96] {strides = array<i32>} : memref<128xi32, #tpu.memory_space<vmem>>, vector<16xi32>,
      %get3A_98 = vector.shape_cast %get3A_97 : vector<16xi32> to vector<16xi32>
      %mul3A_99 = arith.constant 2 : i32
      %mul3A_100 = vector.broadcast %mul3A_99 : i32 to vector<16xi32>
      %mul3A_101 = arith.muli %get3A_98, %mul3A_100 : vector<16xi32>
      %add3A_102 = vector.broadcast %arg0 : i32 to vector<16xi32>
      %add3A_103 = arith.addi %mul3A_101, %add3A_102 : vector<16xi32>
      %swap3A_104 = arith.constant 32 : index
      %swap3A_105 = tpu.vector_load %arg11[%swap3A_104] {strides = array<i32>} : memref<128xi32, #tpu.memory_space<vmem>>, vector<16xi32>,
      %swap3A_106 = vector.shape_cast %swap3A_105 : vector<16xi32> to vector<16xi32>
      %swap3A_107 = vector.shape_cast %add3A_103 : vector<16xi32> to vector<16xi32>
      tpu.vector_store %arg11[%swap3A_104], %swap3A_107 {strides = array<i32>} : memref<128xi32, #tpu.memory_space<vmem>>, vector<16xi32>,
      %get3A_108 = arith.constant 48 : index
      %get3A_109 = tpu.vector_load %arg8[%get3A_108] {strides = array<i32>} : memref<128xi32, #tpu.memory_space<vmem>>, vector<16xi32>,
      %get3A_110 = vector.shape_cast %get3A_109 : vector<16xi32> to vector<16xi32>
      %mul3A_111 = arith.constant 2 : i32
      %mul3A_112 = vector.broadcast %mul3A_111 : i32 to vector<16xi32>
      %mul3A_113 = arith.muli %get3A_110, %mul3A_112 : vector<16xi32>
      %add3A_114 = vector.broadcast %arg0 : i32 to vector<16xi32>
      %add3A_115 = arith.addi %mul3A_113, %add3A_114 : vector<16xi32>
      %swap3A_116 = arith.constant 48 : index
      %swap3A_117 = tpu.vector_load %arg10[%swap3A_116] {strides = array<i32>} : memref<128xi32, #tpu.memory_space<vmem>>, vector<16xi32>,
      %swap3A_118 = vector.shape_cast %swap3A_117 : vector<16xi32> to vector<16xi32>
      %swap3A_119 = vector.shape_cast %add3A_115 : vector<16xi32> to vector<16xi32>
      tpu.vector_store %arg10[%swap3A_116], %swap3A_119 {strides = array<i32>} : memref<128xi32, #tpu.memory_space<vmem>>, vector<16xi32>,
      %get3A_120 = arith.constant 48 : index
      %get3A_121 = tpu.vector_load %arg9[%get3A_120] {strides = array<i32>} : memref<128xi32, #tpu.memory_space<vmem>>, vector<16xi32>,
      %get3A_122 = vector.shape_cast %get3A_121 : vector<16xi32> to vector<16xi32>
      %mul3A_123 = arith.constant 2 : i32
      %mul3A_124 = vector.broadcast %mul3A_123 : i32 to vector<16xi32>
      %mul3A_125 = arith.muli %get3A_122, %mul3A_124 : vector<16xi32>
      %add3A_126 = vector.broadcast %arg0 : i32 to vector<16xi32>
      %add3A_127 = arith.addi %mul3A_125, %add3A_126 : vector<16xi32>
      %swap3A_128 = arith.constant 48 : index
      %swap3A_129 = tpu.vector_load %arg11[%swap3A_128] {strides = array<i32>} : memref<128xi32, #tpu.memory_space<vmem>>, vector<16xi32>,
      %swap3A_130 = vector.shape_cast %swap3A_129 : vector<16xi32> to vector<16xi32>
      %swap3A_131 = vector.shape_cast %add3A_127 : vector<16xi32> to vector<16xi32>
      tpu.vector_store %arg11[%swap3A_128], %swap3A_131 {strides = array<i32>} : memref<128xi32, #tpu.memory_space<vmem>>, vector<16xi32>,
      %get3A_132 = arith.constant 64 : index
      %get3A_133 = tpu.vector_load %arg8[%get3A_132] {strides = array<i32>} : memref<128xi32, #tpu.memory_space<vmem>>, vector<16xi32>,
      %get3A_134 = vector.shape_cast %get3A_133 : vector<16xi32> to vector<16xi32>
      %mul3A_135 = arith.constant 2 : i32
      %mul3A_136 = vector.broadcast %mul3A_135 : i32 to vector<16xi32>
      %mul3A_137 = arith.muli %get3A_134, %mul3A_136 : vector<16xi32>
      %add3A_138 = vector.broadcast %arg0 : i32 to vector<16xi32>
      %add3A_139 = arith.addi %mul3A_137, %add3A_138 : vector<16xi32>
      %swap3A_140 = arith.constant 64 : index
      %swap3A_141 = tpu.vector_load %arg10[%swap3A_140] {strides = array<i32>} : memref<128xi32, #tpu.memory_space<vmem>>, vector<16xi32>,
      %swap3A_142 = vector.shape_cast %swap3A_141 : vector<16xi32> to vector<16xi32>
      %swap3A_143 = vector.shape_cast %add3A_139 : vector<16xi32> to vector<16xi32>
      tpu.vector_store %arg10[%swap3A_140], %swap3A_143 {strides = array<i32>} : memref<128xi32, #tpu.memory_space<vmem>>, vector<16xi32>,
      %get3A_144 = arith.constant 64 : index
      %get3A_145 = tpu.vector_load %arg9[%get3A_144] {strides = array<i32>} : memref<128xi32, #tpu.memory_space<vmem>>, vector<16xi32>,
      %get3A_146 = vector.shape_cast %get3A_145 : vector<16xi32> to vector<16xi32>
      %mul3A_147 = arith.constant 2 : i32
      %mul3A_148 = vector.broadcast %mul3A_147 : i32 to vector<16xi32>
      %mul3A_149 = arith.muli %get3A_146, %mul3A_148 : vector<16xi32>
      %add3A_150 = vector.broadcast %arg0 : i32 to vector<16xi32>
      %add3A_151 = arith.addi %mul3A_149, %add3A_150 : vector<16xi32>
      %swap3A_152 = arith.constant 64 : index
      %swap3A_153 = tpu.vector_load %arg11[%swap3A_152] {strides = array<i32>} : memref<128xi32, #tpu.memory_space<vmem>>, vector<16xi32>,
      %swap3A_154 = vector.shape_cast %swap3A_153 : vector<16xi32> to vector<16xi32>
      %swap3A_155 = vector.shape_cast %add3A_151 : vector<16xi32> to vector<16xi32>
      tpu.vector_store %arg11[%swap3A_152], %swap3A_155 {strides = array<i32>} : memref<128xi32, #tpu.memory_space<vmem>>, vector<16xi32>,
      %get3A_156 = arith.constant 80 : index
      %get3A_157 = tpu.vector_load %arg8[%get3A_156] {strides = array<i32>} : memref<128xi32, #tpu.memory_space<vmem>>, vector<16xi32>,
      %get3A_158 = vector.shape_cast %get3A_157 : vector<16xi32> to vector<16xi32>
      %mul3A_159 = arith.constant 2 : i32
      %mul3A_160 = vector.broadcast %mul3A_159 : i32 to vector<16xi32>
      %mul3A_161 = arith.muli %get3A_158, %mul3A_160 : vector<16xi32>
      %add3A_162 = vector.broadcast %arg0 : i32 to vector<16xi32>
      %add3A_163 = arith.addi %mul3A_161, %add3A_162 : vector<16xi32>
      %swap3A_164 = arith.constant 80 : index
      %swap3A_165 = tpu.vector_load %arg10[%swap3A_164] {strides = array<i32>} : memref<128xi32, #tpu.memory_space<vmem>>, vector<16xi32>,
      %swap3A_166 = vector.shape_cast %swap3A_165 : vector<16xi32> to vector<16xi32>
      %swap3A_167 = vector.shape_cast %add3A_163 : vector<16xi32> to vector<16xi32>
      tpu.vector_store %arg10[%swap3A_164], %swap3A_167 {strides = array<i32>} : memref<128xi32, #tpu.memory_space<vmem>>, vector<16xi32>,
      %get3A_168 = arith.constant 80 : index
      %get3A_169 = tpu.vector_load %arg9[%get3A_168] {strides = array<i32>} : memref<128xi32, #tpu.memory_space<vmem>>, vector<16xi32>,
      %get3A_170 = vector.shape_cast %get3A_169 : vector<16xi32> to vector<16xi32>
      %mul3A_171 = arith.constant 2 : i32
      %mul3A_172 = vector.broadcast %mul3A_171 : i32 to vector<16xi32>
      %mul3A_173 = arith.muli %get3A_170, %mul3A_172 : vector<16xi32>
      %add3A_174 = vector.broadcast %arg0 : i32 to vector<16xi32>
      %add3A_175 = arith.addi %mul3A_173, %add3A_174 : vector<16xi32>
      %swap3A_176 = arith.constant 80 : index
      %swap3A_177 = tpu.vector_load %arg11[%swap3A_176] {strides = array<i32>} : memref<128xi32, #tpu.memory_space<vmem>>, vector<16xi32>,
      %swap3A_178 = vector.shape_cast %swap3A_177 : vector<16xi32> to vector<16xi32>
      %swap3A_179 = vector.shape_cast %add3A_175 : vector<16xi32> to vector<16xi32>
      tpu.vector_store %arg11[%swap3A_176], %swap3A_179 {strides = array<i32>} : memref<128xi32, #tpu.memory_space<vmem>>, vector<16xi32>,
      %get3A_180 = arith.constant 96 : index
      %get3A_181 = tpu.vector_load %arg8[%get3A_180] {strides = array<i32>} : memref<128xi32, #tpu.memory_space<vmem>>, vector<16xi32>,
      %get3A_182 = vector.shape_cast %get3A_181 : vector<16xi32> to vector<16xi32>
      %mul3A_183 = arith.constant 2 : i32
      %mul3A_184 = vector.broadcast %mul3A_183 : i32 to vector<16xi32>
      %mul3A_185 = arith.muli %get3A_182, %mul3A_184 : vector<16xi32>
      %add3A_186 = vector.broadcast %arg0 : i32 to vector<16xi32>
      %add3A_187 = arith.addi %mul3A_185, %add3A_186 : vector<16xi32>
      %swap3A_188 = arith.constant 96 : index
      %swap3A_189 = tpu.vector_load %arg10[%swap3A_188] {strides = array<i32>} : memref<128xi32, #tpu.memory_space<vmem>>, vector<16xi32>,
      %swap3A_190 = vector.shape_cast %swap3A_189 : vector<16xi32> to vector<16xi32>
      %swap3A_191 = vector.shape_cast %add3A_187 : vector<16xi32> to vector<16xi32>
      tpu.vector_store %arg10[%swap3A_188], %swap3A_191 {strides = array<i32>} : memref<128xi32, #tpu.memory_space<vmem>>, vector<16xi32>,
      %get3A_192 = arith.constant 96 : index
      %get3A_193 = tpu.vector_load %arg9[%get3A_192] {strides = array<i32>} : memref<128xi32, #tpu.memory_space<vmem>>, vector<16xi32>,
      %get3A_194 = vector.shape_cast %get3A_193 : vector<16xi32> to vector<16xi32>
      %mul3A_195 = arith.constant 2 : i32
      %mul3A_196 = vector.broadcast %mul3A_195 : i32 to vector<16xi32>
      %mul3A_197 = arith.muli %get3A_194, %mul3A_196 : vector<16xi32>
      %add3A_198 = vector.broadcast %arg0 : i32 to vector<16xi32>
      %add3A_199 = arith.addi %mul3A_197, %add3A_198 : vector<16xi32>
      %swap3A_200 = arith.constant 96 : index
      %swap3A_201 = tpu.vector_load %arg11[%swap3A_200] {strides = array<i32>} : memref<128xi32, #tpu.memory_space<vmem>>, vector<16xi32>,
      %swap3A_202 = vector.shape_cast %swap3A_201 : vector<16xi32> to vector<16xi32>
      %swap3A_203 = vector.shape_cast %add3A_199 : vector<16xi32> to vector<16xi32>
      tpu.vector_store %arg11[%swap3A_200], %swap3A_203 {strides = array<i32>} : memref<128xi32, #tpu.memory_space<vmem>>, vector<16xi32>,
      %get3A_204 = arith.constant 112 : index
      %get3A_205 = tpu.vector_load %arg8[%get3A_204] {strides = array<i32>} : memref<128xi32, #tpu.memory_space<vmem>>, vector<16xi32>,
      %get3A_206 = vector.shape_cast %get3A_205 : vector<16xi32> to vector<16xi32>
      %mul3A_207 = arith.constant 2 : i32
      %mul3A_208 = vector.broadcast %mul3A_207 : i32 to vector<16xi32>
      %mul3A_209 = arith.muli %get3A_206, %mul3A_208 : vector<16xi32>
      %add3A_210 = vector.broadcast %arg0 : i32 to vector<16xi32>
      %add3A_211 = arith.addi %mul3A_209, %add3A_210 : vector<16xi32>
      %swap3A_212 = arith.constant 112 : index
      %swap3A_213 = tpu.vector_load %arg10[%swap3A_212] {strides = array<i32>} : memref<128xi32, #tpu.memory_space<vmem>>, vector<16xi32>,
      %swap3A_214 = vector.shape_cast %swap3A_213 : vector<16xi32> to vector<16xi32>
      %swap3A_215 = vector.shape_cast %add3A_211 : vector<16xi32> to vector<16xi32>
      tpu.vector_store %arg10[%swap3A_212], %swap3A_215 {strides = array<i32>} : memref<128xi32, #tpu.memory_space<vmem>>, vector<16xi32>,
      %get3A_216 = arith.constant 112 : index
      %get3A_217 = tpu.vector_load %arg9[%get3A_216] {strides = array<i32>} : memref<128xi32, #tpu.memory_space<vmem>>, vector<16xi32>,
      %get3A_218 = vector.shape_cast %get3A_217 : vector<16xi32> to vector<16xi32>
      %mul3A_219 = arith.constant 2 : i32
      %mul3A_220 = vector.broadcast %mul3A_219 : i32 to vector<16xi32>
      %mul3A_221 = arith.muli %get3A_218, %mul3A_220 : vector<16xi32>
      %add3A_222 = vector.broadcast %arg0 : i32 to vector<16xi32>
      %add3A_223 = arith.addi %mul3A_221, %add3A_222 : vector<16xi32>
      %swap3A_224 = arith.constant 112 : index
      %swap3A_225 = tpu.vector_load %arg11[%swap3A_224] {strides = array<i32>} : memref<128xi32, #tpu.memory_space<vmem>>, vector<16xi32>,
      %swap3A_226 = vector.shape_cast %swap3A_225 : vector<16xi32> to vector<16xi32>
      %swap3A_227 = vector.shape_cast %add3A_223 : vector<16xi32> to vector<16xi32>
      tpu.vector_store %arg11[%swap3A_224], %swap3A_227 {strides = array<i32>} : memref<128xi32, #tpu.memory_space<vmem>>, vector<16xi32>,
      %dma_start3A = arith.constant 0 : i32
      %dma_start3A_228 = arith.constant 0 : i32
      %dma_start3A_229 = tpu.memref_slice %arg2[%dma_start3A, %dma_start3A_228] : memref<20480x64xf32, #tpu.memory_space<hbm>> -> memref<20480x64xf32, #tpu.memory_space<hbm>>
      tpu.enqueue_indirect_dma source(%dma_start3A_229 : memref<20480x64xf32, #tpu.memory_space<hbm>>) target(%arg12 : memref<128x64xf32, #tpu.memory_space<vmem>>) offsets(%arg10 : memref<128xi32, #tpu.memory_space<vmem>>) semaphore(%arg18 : memref<!tpu.dma_semaphore, #tpu.memory_space<semaphore_mem>>)
      %dma_start3A_230 = arith.constant 0 : i32
      %dma_start3A_231 = arith.constant 0 : i32
      %dma_start3A_232 = tpu.memref_slice %arg3[%dma_start3A_230, %dma_start3A_231] : memref<20480x64xf32, #tpu.memory_space<hbm>> -> memref<20480x64xf32, #tpu.memory_space<hbm>>
      tpu.enqueue_indirect_dma source(%dma_start3A_232 : memref<20480x64xf32, #tpu.memory_space<hbm>>) target(%arg13 : memref<128x64xf32, #tpu.memory_space<vmem>>) offsets(%arg11 : memref<128xi32, #tpu.memory_space<vmem>>) semaphore(%arg19 : memref<!tpu.dma_semaphore, #tpu.memory_space<semaphore_mem>>)
      %dma_wait3A = arith.constant 0 : i32
      %dma_wait3A_233 = arith.constant 0 : i32
      %dma_wait3A_234 = tpu.memref_slice %arg2[%dma_wait3A, %dma_wait3A_233] : memref<20480x64xf32, #tpu.memory_space<hbm>> -> memref<20480x64xf32, #tpu.memory_space<hbm>>
      tpu.wait_indirect_dma semaphore(%arg18 : memref<!tpu.dma_semaphore, #tpu.memory_space<semaphore_mem>>) src(%dma_wait3A_234 : memref<20480x64xf32, #tpu.memory_space<hbm>>) dst(%arg12 : memref<128x64xf32, #tpu.memory_space<vmem>>)
      %dma_wait3A_235 = arith.constant 0 : i32
      %dma_wait3A_236 = arith.constant 0 : i32
      %dma_wait3A_237 = tpu.memref_slice %arg3[%dma_wait3A_235, %dma_wait3A_236] : memref<20480x64xf32, #tpu.memory_space<hbm>> -> memref<20480x64xf32, #tpu.memory_space<hbm>>
      tpu.wait_indirect_dma semaphore(%arg19 : memref<!tpu.dma_semaphore, #tpu.memory_space<semaphore_mem>>) src(%dma_wait3A_237 : memref<20480x64xf32, #tpu.memory_space<hbm>>) dst(%arg13 : memref<128x64xf32, #tpu.memory_space<vmem>>)
      %scan3A_238 = arith.constant 0 : i32
      %scan3A_239 = arith.constant 0 : i32
      %scan3A_240 = arith.constant 128 : i32
      %scan3A_241 = arith.addi %scan3A_239, %scan3A_240 : i32
      %scan3A_242 = arith.constant 1 : i32
      %scan3A_243 = scf.for %scan3A_246 = %scan3A_239 to %scan3A_241 step %scan3A_242 iter_args(%scan3A_247 = %scan3A_238) -> (i32)  : i32 {
        %get3A_248 = arith.index_cast %scan3A_246 : i32 to index
        %get3A_249 = arith.constant 0 : index
        %get3A_250 = tpu.vector_load %arg12[%get3A_248, %get3A_249] {strides = array<i32>} : memref<128x64xf32, #tpu.memory_space<vmem>>, vector<1x16xf32>,
        %get3A_251 = vector.shape_cast %get3A_250 : vector<1x16xf32> to vector<16xf32>
        %get3A_252 = arith.index_cast %scan3A_246 : i32 to index
        %get3A_253 = arith.constant 0 : index
        %get3A_254 = tpu.vector_load %arg13[%get3A_252, %get3A_253] {strides = array<i32>} : memref<128x64xf32, #tpu.memory_space<vmem>>, vector<1x16xf32>,
        %get3A_255 = vector.shape_cast %get3A_254 : vector<1x16xf32> to vector<16xf32>
        %add3A_256 = arith.addf %get3A_251, %get3A_255 : vector<16xf32>
        %max3A = arith.constant 0.000000e+00 : f32
        %max3A_257 = vector.broadcast %max3A : f32 to vector<16xf32>
        %max3A_258 = arith.maximumf %add3A_256, %max3A_257 : vector<16xf32>
        %swap3A_259 = arith.index_cast %scan3A_246 : i32 to index
        %swap3A_260 = arith.constant 0 : index
        %swap3A_261 = tpu.vector_load %arg12[%swap3A_259, %swap3A_260] {strides = array<i32>} : memref<128x64xf32, #tpu.memory_space<vmem>>, vector<1x16xf32>,
        %swap3A_262 = vector.shape_cast %swap3A_261 : vector<1x16xf32> to vector<16xf32>
        %swap3A_263 = vector.shape_cast %max3A_258 : vector<16xf32> to vector<1x16xf32>
        tpu.vector_store %arg12[%swap3A_259, %swap3A_260], %swap3A_263 {strides = array<i32>} : memref<128x64xf32, #tpu.memory_space<vmem>>, vector<1x16xf32>,
        %get3A_264 = arith.index_cast %scan3A_246 : i32 to index
        %get3A_265 = arith.constant 16 : index
        %get3A_266 = tpu.vector_load %arg12[%get3A_264, %get3A_265] {strides = array<i32>} : memref<128x64xf32, #tpu.memory_space<vmem>>, vector<1x16xf32>,
        %get3A_267 = vector.shape_cast %get3A_266 : vector<1x16xf32> to vector<16xf32>
        %get3A_268 = arith.index_cast %scan3A_246 : i32 to index
        %get3A_269 = arith.constant 16 : index
        %get3A_270 = tpu.vector_load %arg13[%get3A_268, %get3A_269] {strides = array<i32>} : memref<128x64xf32, #tpu.memory_space<vmem>>, vector<1x16xf32>,
        %get3A_271 = vector.shape_cast %get3A_270 : vector<1x16xf32> to vector<16xf32>
        %add3A_272 = arith.addf %get3A_267, %get3A_271 : vector<16xf32>
        %max3A_273 = arith.constant 0.000000e+00 : f32
        %max3A_274 = vector.broadcast %max3A_273 : f32 to vector<16xf32>
        %max3A_275 = arith.maximumf %add3A_272, %max3A_274 : vector<16xf32>
        %swap3A_276 = arith.index_cast %scan3A_246 : i32 to index
        %swap3A_277 = arith.constant 16 : index
        %swap3A_278 = tpu.vector_load %arg12[%swap3A_276, %swap3A_277] {strides = array<i32>} : memref<128x64xf32, #tpu.memory_space<vmem>>, vector<1x16xf32>,
        %swap3A_279 = vector.shape_cast %swap3A_278 : vector<1x16xf32> to vector<16xf32>
        %swap3A_280 = vector.shape_cast %max3A_275 : vector<16xf32> to vector<1x16xf32>
        tpu.vector_store %arg12[%swap3A_276, %swap3A_277], %swap3A_280 {strides = array<i32>} : memref<128x64xf32, #tpu.memory_space<vmem>>, vector<1x16xf32>,
        %get3A_281 = arith.index_cast %scan3A_246 : i32 to index
        %get3A_282 = arith.constant 32 : index
        %get3A_283 = tpu.vector_load %arg12[%get3A_281, %get3A_282] {strides = array<i32>} : memref<128x64xf32, #tpu.memory_space<vmem>>, vector<1x16xf32>,
        %get3A_284 = vector.shape_cast %get3A_283 : vector<1x16xf32> to vector<16xf32>
        %get3A_285 = arith.index_cast %scan3A_246 : i32 to index
        %get3A_286 = arith.constant 32 : index
        %get3A_287 = tpu.vector_load %arg13[%get3A_285, %get3A_286] {strides = array<i32>} : memref<128x64xf32, #tpu.memory_space<vmem>>, vector<1x16xf32>,
        %get3A_288 = vector.shape_cast %get3A_287 : vector<1x16xf32> to vector<16xf32>
        %add3A_289 = arith.addf %get3A_284, %get3A_288 : vector<16xf32>
        %max3A_290 = arith.constant 0.000000e+00 : f32
        %max3A_291 = vector.broadcast %max3A_290 : f32 to vector<16xf32>
        %max3A_292 = arith.maximumf %add3A_289, %max3A_291 : vector<16xf32>
        %swap3A_293 = arith.index_cast %scan3A_246 : i32 to index
        %swap3A_294 = arith.constant 32 : index
        %swap3A_295 = tpu.vector_load %arg12[%swap3A_293, %swap3A_294] {strides = array<i32>} : memref<128x64xf32, #tpu.memory_space<vmem>>, vector<1x16xf32>,
        %swap3A_296 = vector.shape_cast %swap3A_295 : vector<1x16xf32> to vector<16xf32>
        %swap3A_297 = vector.shape_cast %max3A_292 : vector<16xf32> to vector<1x16xf32>
        tpu.vector_store %arg12[%swap3A_293, %swap3A_294], %swap3A_297 {strides = array<i32>} : memref<128x64xf32, #tpu.memory_space<vmem>>, vector<1x16xf32>,
        %get3A_298 = arith.index_cast %scan3A_246 : i32 to index
        %get3A_299 = arith.constant 48 : index
        %get3A_300 = tpu.vector_load %arg12[%get3A_298, %get3A_299] {strides = array<i32>} : memref<128x64xf32, #tpu.memory_space<vmem>>, vector<1x16xf32>,
        %get3A_301 = vector.shape_cast %get3A_300 : vector<1x16xf32> to vector<16xf32>
        %get3A_302 = arith.index_cast %scan3A_246 : i32 to index
        %get3A_303 = arith.constant 48 : index
        %get3A_304 = tpu.vector_load %arg13[%get3A_302, %get3A_303] {strides = array<i32>} : memref<128x64xf32, #tpu.memory_space<vmem>>, vector<1x16xf32>,
        %get3A_305 = vector.shape_cast %get3A_304 : vector<1x16xf32> to vector<16xf32>
        %add3A_306 = arith.addf %get3A_301, %get3A_305 : vector<16xf32>
        %max3A_307 = arith.constant 0.000000e+00 : f32
        %max3A_308 = vector.broadcast %max3A_307 : f32 to vector<16xf32>
        %max3A_309 = arith.maximumf %add3A_306, %max3A_308 : vector<16xf32>
        %swap3A_310 = arith.index_cast %scan3A_246 : i32 to index
        %swap3A_311 = arith.constant 48 : index
        %swap3A_312 = tpu.vector_load %arg12[%swap3A_310, %swap3A_311] {strides = array<i32>} : memref<128x64xf32, #tpu.memory_space<vmem>>, vector<1x16xf32>,
        %swap3A_313 = vector.shape_cast %swap3A_312 : vector<1x16xf32> to vector<16xf32>
        %swap3A_314 = vector.shape_cast %max3A_309 : vector<16xf32> to vector<1x16xf32>
        tpu.vector_store %arg12[%swap3A_310, %swap3A_311], %swap3A_314 {strides = array<i32>} : memref<128x64xf32, #tpu.memory_space<vmem>>, vector<1x16xf32>,
        %scan3A_315 = arith.constant 0 : i32
        scf.yield %scan3A_315 : i32
      }
      %scan3A_244 = arith.constant 128 : i32
      "tpu.region"() ({
        %run_scoped3A = tpu.sem_alloc : memref<!tpu.dma_semaphore, #tpu.memory_space<semaphore_mem>>
        %dma_start3A_246 = arith.constant 0 : i32
        %dma_start3A_247 = arith.constant 0 : i32
        %dma_start3A_248 = tpu.memref_slice %arg16[%dma_start3A_246, %dma_start3A_247] : memref<10240x64xf32, #tpu.memory_space<vmem_shared>> -> memref<10240x64xf32, #tpu.memory_space<vmem_shared>>
        tpu.enqueue_indirect_dma source(%arg12 : memref<128x64xf32, #tpu.memory_space<vmem>>) target(%dma_start3A_248 : memref<10240x64xf32, #tpu.memory_space<vmem_shared>>) offsets(%arg8 : memref<128xi32, #tpu.memory_space<vmem>>) semaphore(%run_scoped3A : memref<!tpu.dma_semaphore, #tpu.memory_space<semaphore_mem>>) {add = true}
        %dma_wait3A_249 = arith.constant 0 : i32
        %dma_wait3A_250 = arith.constant 0 : i32
        %dma_wait3A_251 = tpu.memref_slice %arg16[%dma_wait3A_249, %dma_wait3A_250] : memref<10240x64xf32, #tpu.memory_space<vmem_shared>> -> memref<10240x64xf32, #tpu.memory_space<vmem_shared>>
        tpu.wait_indirect_dma semaphore(%run_scoped3A : memref<!tpu.dma_semaphore, #tpu.memory_space<semaphore_mem>>) src(%arg12 : memref<128x64xf32, #tpu.memory_space<vmem>>) dst(%dma_wait3A_251 : memref<10240x64xf32, #tpu.memory_space<vmem_shared>>)
        tpu.yield
      }) : () -> ()
      "tpu.region"() ({
        %run_scoped3A = tpu.sem_alloc : memref<!tpu.dma_semaphore, #tpu.memory_space<semaphore_mem>>
        %dma_start3A_246 = arith.constant 0 : i32
        %dma_start3A_247 = arith.constant 0 : i32
        %dma_start3A_248 = tpu.memref_slice %arg17[%dma_start3A_246, %dma_start3A_247] : memref<10240x16xf32, #tpu.memory_space<vmem_shared>> -> memref<10240x16xf32, #tpu.memory_space<vmem_shared>>
        tpu.enqueue_indirect_dma source(%arg14 : memref<128x16xf32, #tpu.memory_space<vmem>>) target(%dma_start3A_248 : memref<10240x16xf32, #tpu.memory_space<vmem_shared>>) offsets(%arg8 : memref<128xi32, #tpu.memory_space<vmem>>) semaphore(%run_scoped3A : memref<!tpu.dma_semaphore, #tpu.memory_space<semaphore_mem>>) {add = true}
        %dma_wait3A_249 = arith.constant 0 : i32
        %dma_wait3A_250 = arith.constant 0 : i32
        %dma_wait3A_251 = tpu.memref_slice %arg17[%dma_wait3A_249, %dma_wait3A_250] : memref<10240x16xf32, #tpu.memory_space<vmem_shared>> -> memref<10240x16xf32, #tpu.memory_space<vmem_shared>>
        tpu.wait_indirect_dma semaphore(%run_scoped3A : memref<!tpu.dma_semaphore, #tpu.memory_space<semaphore_mem>>) src(%arg14 : memref<128x16xf32, #tpu.memory_space<vmem>>) dst(%dma_wait3A_251 : memref<10240x16xf32, #tpu.memory_space<vmem_shared>>)
        tpu.yield
      }) : () -> ()
      %scan3A_245 = arith.constant 0 : i32
      scf.yield %scan3A_245 : i32
    }
    %scan3A_25 = arith.constant 157 : i32
    %barrier3A_26 = arith.constant 0 : index
    tpu.barrier barrier_id(%barrier3A_26)
    %scan3A_27 = arith.constant 0 : i32
    %scan3A_28 = arith.constant 0 : i32
    %scan3A_29 = arith.constant 5 : i32
    %scan3A_30 = arith.addi %scan3A_28, %scan3A_29 : i32
    %scan3A_31 = arith.constant 1 : i32
    %scan3A_32 = scf.for %scan3A_34 = %scan3A_28 to %scan3A_30 step %scan3A_31 iter_args(%scan3A_35 = %scan3A_27) -> (i32)  : i32 {
      %mul3A_36 = arith.constant 640 : i32
      %mul3A_37 = arith.muli %arg1, %mul3A_36 : i32
      %mul3A_38 = arith.constant 128 : i32
      %mul3A_39 = arith.muli %scan3A_34, %mul3A_38 : i32
      %add3A = arith.addi %mul3A_37, %mul3A_39 : i32
      "tpu.region"() ({
        %run_scoped3A = tpu.sem_alloc : memref<!tpu.dma_semaphore, #tpu.memory_space<semaphore_mem>>
        %dma_start3A = arith.constant 0 : i32
        %dma_start3A_41 = tpu.memref_slice %arg16[%add3A, %dma_start3A] : memref<10240x64xf32, #tpu.memory_space<vmem_shared>> -> memref<128x64xf32, #tpu.memory_space<vmem_shared>>
        %dma_start3A_42 = arith.constant 0 : i32
        %dma_start3A_43 = tpu.memref_slice %arg16[%add3A, %dma_start3A_42] : memref<10240x64xf32, #tpu.memory_space<vmem_shared>> -> memref<128x64xf32, #tpu.memory_space<vmem_shared>>
        tpu.enqueue_dma source(%dma_start3A_43 : memref<128x64xf32, #tpu.memory_space<vmem_shared>>) target(%arg12 : memref<128x64xf32, #tpu.memory_space<vmem>>) target_semaphore(%run_scoped3A : memref<!tpu.dma_semaphore, #tpu.memory_space<semaphore_mem>>)
        %dma_wait3A = arith.constant 0 : i32
        %dma_wait3A_44 = tpu.memref_slice %arg16[%add3A, %dma_wait3A] : memref<10240x64xf32, #tpu.memory_space<vmem_shared>> -> memref<128x64xf32, #tpu.memory_space<vmem_shared>>
        %dma_wait3A_45 = arith.constant 0 : i32
        %dma_wait3A_46 = tpu.memref_slice %arg16[%add3A, %dma_wait3A_45] : memref<10240x64xf32, #tpu.memory_space<vmem_shared>> -> memref<128x64xf32, #tpu.memory_space<vmem_shared>>
        tpu.wait_dma2 semaphore(%run_scoped3A : memref<!tpu.dma_semaphore, #tpu.memory_space<semaphore_mem>>) src(%dma_wait3A_46 : memref<128x64xf32, #tpu.memory_space<vmem_shared>>) dst(%arg12 : memref<128x64xf32, #tpu.memory_space<vmem>>)
        tpu.yield
      }) : () -> ()
      "tpu.region"() ({
        %run_scoped3A = tpu.sem_alloc : memref<!tpu.dma_semaphore, #tpu.memory_space<semaphore_mem>>
        %dma_start3A = arith.constant 0 : i32
        %dma_start3A_41 = tpu.memref_slice %arg6[%arg0, %add3A, %dma_start3A] : memref<2x10240x64xf32, #tpu.memory_space<hbm>> -> memref<1x128x64xf32, #tpu.memory_space<hbm>>
        %dma_start3A_42 = tpu.memref_squeeze %dma_start3A_41 : memref<1x128x64xf32, #tpu.memory_space<hbm>> -> memref<128x64xf32, #tpu.memory_space<hbm>>
        %dma_start3A_43 = arith.constant 0 : i32
        %dma_start3A_44 = tpu.memref_slice %arg6[%arg0, %add3A, %dma_start3A_43] : memref<2x10240x64xf32, #tpu.memory_space<hbm>> -> memref<1x128x64xf32, #tpu.memory_space<hbm>>
        %dma_start3A_45 = tpu.memref_squeeze %dma_start3A_44 : memref<1x128x64xf32, #tpu.memory_space<hbm>> -> memref<128x64xf32, #tpu.memory_space<hbm>>
        tpu.enqueue_dma source(%arg12 : memref<128x64xf32, #tpu.memory_space<vmem>>) target(%dma_start3A_45 : memref<128x64xf32, #tpu.memory_space<hbm>>) target_semaphore(%run_scoped3A : memref<!tpu.dma_semaphore, #tpu.memory_space<semaphore_mem>>)
        %dma_wait3A = arith.constant 0 : i32
        %dma_wait3A_46 = tpu.memref_slice %arg6[%arg0, %add3A, %dma_wait3A] : memref<2x10240x64xf32, #tpu.memory_space<hbm>> -> memref<1x128x64xf32, #tpu.memory_space<hbm>>
        %dma_wait3A_47 = tpu.memref_squeeze %dma_wait3A_46 : memref<1x128x64xf32, #tpu.memory_space<hbm>> -> memref<128x64xf32, #tpu.memory_space<hbm>>
        %dma_wait3A_48 = arith.constant 0 : i32
        %dma_wait3A_49 = tpu.memref_slice %arg6[%arg0, %add3A, %dma_wait3A_48] : memref<2x10240x64xf32, #tpu.memory_space<hbm>> -> memref<1x128x64xf32, #tpu.memory_space<hbm>>
        %dma_wait3A_50 = tpu.memref_squeeze %dma_wait3A_49 : memref<1x128x64xf32, #tpu.memory_space<hbm>> -> memref<128x64xf32, #tpu.memory_space<hbm>>
        tpu.wait_dma2 semaphore(%run_scoped3A : memref<!tpu.dma_semaphore, #tpu.memory_space<semaphore_mem>>) src(%arg12 : memref<128x64xf32, #tpu.memory_space<vmem>>) dst(%dma_wait3A_50 : memref<128x64xf32, #tpu.memory_space<hbm>>)
        tpu.yield
      }) : () -> ()
      "tpu.region"() ({
        %run_scoped3A = tpu.sem_alloc : memref<!tpu.dma_semaphore, #tpu.memory_space<semaphore_mem>>
        %dma_start3A = arith.constant 0 : i32
        %dma_start3A_41 = tpu.memref_slice %arg17[%add3A, %dma_start3A] : memref<10240x16xf32, #tpu.memory_space<vmem_shared>> -> memref<128x16xf32, #tpu.memory_space<vmem_shared>>
        %dma_start3A_42 = arith.constant 0 : i32
        %dma_start3A_43 = tpu.memref_slice %arg17[%add3A, %dma_start3A_42] : memref<10240x16xf32, #tpu.memory_space<vmem_shared>> -> memref<128x16xf32, #tpu.memory_space<vmem_shared>>
        tpu.enqueue_dma source(%dma_start3A_43 : memref<128x16xf32, #tpu.memory_space<vmem_shared>>) target(%arg15 : memref<128x16xf32, #tpu.memory_space<vmem>>) target_semaphore(%run_scoped3A : memref<!tpu.dma_semaphore, #tpu.memory_space<semaphore_mem>>)
        %dma_wait3A = arith.constant 0 : i32
        %dma_wait3A_44 = tpu.memref_slice %arg17[%add3A, %dma_wait3A] : memref<10240x16xf32, #tpu.memory_space<vmem_shared>> -> memref<128x16xf32, #tpu.memory_space<vmem_shared>>
        %dma_wait3A_45 = arith.constant 0 : i32
        %dma_wait3A_46 = tpu.memref_slice %arg17[%add3A, %dma_wait3A_45] : memref<10240x16xf32, #tpu.memory_space<vmem_shared>> -> memref<128x16xf32, #tpu.memory_space<vmem_shared>>
        tpu.wait_dma2 semaphore(%run_scoped3A : memref<!tpu.dma_semaphore, #tpu.memory_space<semaphore_mem>>) src(%dma_wait3A_46 : memref<128x16xf32, #tpu.memory_space<vmem_shared>>) dst(%arg15 : memref<128x16xf32, #tpu.memory_space<vmem>>)
        tpu.yield
      }) : () -> ()
      "tpu.region"() ({
        %run_scoped3A = tpu.sem_alloc : memref<!tpu.dma_semaphore, #tpu.memory_space<semaphore_mem>>
        %dma_start3A = arith.constant 0 : i32
        %dma_start3A_41 = tpu.memref_slice %arg7[%arg0, %add3A, %dma_start3A] : memref<2x10240x16xf32, #tpu.memory_space<hbm>> -> memref<1x128x16xf32, #tpu.memory_space<hbm>>
        %dma_start3A_42 = tpu.memref_squeeze %dma_start3A_41 : memref<1x128x16xf32, #tpu.memory_space<hbm>> -> memref<128x16xf32, #tpu.memory_space<hbm>>
        %dma_start3A_43 = arith.constant 0 : i32
        %dma_start3A_44 = tpu.memref_slice %arg7[%arg0, %add3A, %dma_start3A_43] : memref<2x10240x16xf32, #tpu.memory_space<hbm>> -> memref<1x128x16xf32, #tpu.memory_space<hbm>>
        %dma_start3A_45 = tpu.memref_squeeze %dma_start3A_44 : memref<1x128x16xf32, #tpu.memory_space<hbm>> -> memref<128x16xf32, #tpu.memory_space<hbm>>
        tpu.enqueue_dma source(%arg15 : memref<128x16xf32, #tpu.memory_space<vmem>>) target(%dma_start3A_45 : memref<128x16xf32, #tpu.memory_space<hbm>>) target_semaphore(%run_scoped3A : memref<!tpu.dma_semaphore, #tpu.memory_space<semaphore_mem>>)
        %dma_wait3A = arith.constant 0 : i32
        %dma_wait3A_46 = tpu.memref_slice %arg7[%arg0, %add3A, %dma_wait3A] : memref<2x10240x16xf32, #tpu.memory_space<hbm>> -> memref<1x128x16xf32, #tpu.memory_space<hbm>>
        %dma_wait3A_47 = tpu.memref_squeeze %dma_wait3A_46 : memref<1x128x16xf32, #tpu.memory_space<hbm>> -> memref<128x16xf32, #tpu.memory_space<hbm>>
        %dma_wait3A_48 = arith.constant 0 : i32
        %dma_wait3A_49 = tpu.memref_slice %arg7[%arg0, %add3A, %dma_wait3A_48] : memref<2x10240x16xf32, #tpu.memory_space<hbm>> -> memref<1x128x16xf32, #tpu.memory_space<hbm>>
        %dma_wait3A_50 = tpu.memref_squeeze %dma_wait3A_49 : memref<1x128x16xf32, #tpu.memory_space<hbm>> -> memref<128x16xf32, #tpu.memory_space<hbm>>
        tpu.wait_dma2 semaphore(%run_scoped3A : memref<!tpu.dma_semaphore, #tpu.memory_space<semaphore_mem>>) src(%arg15 : memref<128x16xf32, #tpu.memory_space<vmem>>) dst(%dma_wait3A_50 : memref<128x16xf32, #tpu.memory_space<hbm>>)
        tpu.yield
      }) : () -> ()
      %scan3A_40 = arith.constant 0 : i32
      scf.yield %scan3A_40 : i32
    }
    %scan3A_33 = arith.constant 5 : i32
    return
  }
}

module attributes {stable_mosaic.version = 14 : i64} {
  func.func @_matmul_body(%arg0: i32, %arg1: memref<2048x128xf32, #tpu.memory_space<vmem>>, %arg2: memref<128x128xf32, #tpu.memory_space<vmem>>, %arg3: memref<128x128xf32, #tpu.memory_space<vmem>>, %arg4: memref<1x128xf32, #tpu.memory_space<vmem>>, %arg5: memref<2048x2x64xf32, #tpu.memory_space<vmem>>, %arg6: memref<2048x2x64xf32, #tpu.memory_space<vmem>>) attributes {dimension_semantics = [#tpu.dimension_semantics<arbitrary>], iteration_bounds = array<i64: 5>, scalar_prefetch = 0 : i64, scratch_operands = 0 : i64, tpu.core_type = #tpu.core_type<tc>, window_params = [{transform_indices = @transform_0, window_bounds = array<i64: 2048, 128>}, {pipeline_mode = #tpu.pipeline_mode<synchronous>, transform_indices = @transform_1, window_bounds = array<i64: 128, 128>}, {pipeline_mode = #tpu.pipeline_mode<synchronous>, transform_indices = @transform_2, window_bounds = array<i64: 128, 128>}, {pipeline_mode = #tpu.pipeline_mode<synchronous>, transform_indices = @transform_3, window_bounds = array<i64: 1, 128>}, {transform_indices = @transform_4, window_bounds = array<i64: 2048, 2, 64>}, {transform_indices = @transform_5, window_bounds = array<i64: 2048, 2, 64>}]} {
    %get3A = arith.constant 0 : index
    %get3A_0 = arith.constant 0 : index
    %get3A_1 = vector.load %arg1[%get3A, %get3A_0] : memref<2048x128xf32, #tpu.memory_space<vmem>>, vector<2048x128xf32>
    %get3A_2 = arith.constant 0 : index
    %get3A_3 = arith.constant 0 : index
    %get3A_4 = vector.load %arg2[%get3A_2, %get3A_3] : memref<128x128xf32, #tpu.memory_space<vmem>>, vector<128x128xf32>
    %dot_general3A = arith.constant dense<0.000000e+00> : vector<2048x128xf32>
    %dot_general3A_5 = tpu.matmul %get3A_1, %get3A_4, %dot_general3A {dimension_numbers = #tpu.dot_dimension_numbers<[1], [0], [0], [1], [0, 0, 1, 1], [], []>, transpose_lhs_hint = false} : vector<2048x128xf32>, vector<128x128xf32>, vector<2048x128xf32> -> vector<2048x128xf32>
    %get3A_6 = arith.constant 0 : index
    %get3A_7 = arith.constant 0 : index
    %get3A_8 = vector.load %arg4[%get3A_6, %get3A_7] : memref<1x128xf32, #tpu.memory_space<vmem>>, vector<1x128xf32>
    %add3A = vector.broadcast %get3A_8 : vector<1x128xf32> to vector<2048x128xf32>
    %add3A_9 = arith.addf %dot_general3A_5, %add3A : vector<2048x128xf32>
    %get3A_10 = arith.constant 0 : index
    %get3A_11 = arith.constant 0 : index
    %get3A_12 = vector.load %arg3[%get3A_10, %get3A_11] : memref<128x128xf32, #tpu.memory_space<vmem>>, vector<128x128xf32>
    %dot_general3A_13 = arith.constant dense<0.000000e+00> : vector<2048x128xf32>
    %dot_general3A_14 = tpu.matmul %get3A_1, %get3A_12, %dot_general3A_13 {dimension_numbers = #tpu.dot_dimension_numbers<[1], [0], [0], [1], [0, 0, 1, 1], [], []>, transpose_lhs_hint = false} : vector<2048x128xf32>, vector<128x128xf32>, vector<2048x128xf32> -> vector<2048x128xf32>
    %slice3A = vector.extract_strided_slice %add3A_9 {offsets = [0, 0], sizes = [2048, 64], strides = [1, 1]} : vector<2048x128xf32> to vector<2048x64xf32>
    %swap3A = arith.constant 0 : index
    %swap3A_15 = arith.constant 0 : index
    %swap3A_16 = arith.constant 0 : index
    %swap3A_17 = vector.load %arg5[%swap3A, %swap3A_15, %swap3A_16] : memref<2048x2x64xf32, #tpu.memory_space<vmem>>, vector<2048x1x64xf32>
    %swap3A_18 = vector.shape_cast %swap3A_17 : vector<2048x1x64xf32> to vector<2048x64xf32>
    %swap3A_19 = vector.shape_cast %slice3A : vector<2048x64xf32> to vector<2048x1x64xf32>
    tpu.vector_store %arg5[%swap3A, %swap3A_15, %swap3A_16], %swap3A_19 {strides = array<i32>} : memref<2048x2x64xf32, #tpu.memory_space<vmem>>, vector<2048x1x64xf32>,
    %slice3A_20 = vector.extract_strided_slice %add3A_9 {offsets = [0, 64], sizes = [2048, 64], strides = [1, 1]} : vector<2048x128xf32> to vector<2048x64xf32>
    %swap3A_21 = arith.constant 0 : index
    %swap3A_22 = arith.constant 1 : index
    %swap3A_23 = arith.constant 0 : index
    %swap3A_24 = vector.load %arg5[%swap3A_21, %swap3A_22, %swap3A_23] : memref<2048x2x64xf32, #tpu.memory_space<vmem>>, vector<2048x1x64xf32>
    %swap3A_25 = vector.shape_cast %swap3A_24 : vector<2048x1x64xf32> to vector<2048x64xf32>
    %swap3A_26 = vector.shape_cast %slice3A_20 : vector<2048x64xf32> to vector<2048x1x64xf32>
    tpu.vector_store %arg5[%swap3A_21, %swap3A_22, %swap3A_23], %swap3A_26 {strides = array<i32>} : memref<2048x2x64xf32, #tpu.memory_space<vmem>>, vector<2048x1x64xf32>,
    %slice3A_27 = vector.extract_strided_slice %dot_general3A_14 {offsets = [0, 0], sizes = [2048, 64], strides = [1, 1]} : vector<2048x128xf32> to vector<2048x64xf32>
    %swap3A_28 = arith.constant 0 : index
    %swap3A_29 = arith.constant 0 : index
    %swap3A_30 = arith.constant 0 : index
    %swap3A_31 = vector.load %arg6[%swap3A_28, %swap3A_29, %swap3A_30] : memref<2048x2x64xf32, #tpu.memory_space<vmem>>, vector<2048x1x64xf32>
    %swap3A_32 = vector.shape_cast %swap3A_31 : vector<2048x1x64xf32> to vector<2048x64xf32>
    %swap3A_33 = vector.shape_cast %slice3A_27 : vector<2048x64xf32> to vector<2048x1x64xf32>
    tpu.vector_store %arg6[%swap3A_28, %swap3A_29, %swap3A_30], %swap3A_33 {strides = array<i32>} : memref<2048x2x64xf32, #tpu.memory_space<vmem>>, vector<2048x1x64xf32>,
    %slice3A_34 = vector.extract_strided_slice %dot_general3A_14 {offsets = [0, 64], sizes = [2048, 64], strides = [1, 1]} : vector<2048x128xf32> to vector<2048x64xf32>
    %swap3A_35 = arith.constant 0 : index
    %swap3A_36 = arith.constant 1 : index
    %swap3A_37 = arith.constant 0 : index
    %swap3A_38 = vector.load %arg6[%swap3A_35, %swap3A_36, %swap3A_37] : memref<2048x2x64xf32, #tpu.memory_space<vmem>>, vector<2048x1x64xf32>
    %swap3A_39 = vector.shape_cast %swap3A_38 : vector<2048x1x64xf32> to vector<2048x64xf32>
    %swap3A_40 = vector.shape_cast %slice3A_34 : vector<2048x64xf32> to vector<2048x1x64xf32>
    tpu.vector_store %arg6[%swap3A_35, %swap3A_36, %swap3A_37], %swap3A_40 {strides = array<i32>} : memref<2048x2x64xf32, #tpu.memory_space<vmem>>, vector<2048x1x64xf32>,
    return
  }
  func.func @transform_0(%arg0: i32) -> (i32, i32) {
    %c0_i32 = arith.constant 0 : i32
    %c0_i32_0 = arith.constant 0 : i32
    return %arg0, %c0_i32 : i32, i32
  }
  func.func @transform_1(%arg0: i32) -> (i32, i32) {
    %c0_i32 = arith.constant 0 : i32
    %c0_i32_0 = arith.constant 0 : i32
    %c0_i32_1 = arith.constant 0 : i32
    return %c0_i32, %c0_i32_0 : i32, i32
  }
  func.func @transform_2(%arg0: i32) -> (i32, i32) {
    %c0_i32 = arith.constant 0 : i32
    %c0_i32_0 = arith.constant 0 : i32
    %c0_i32_1 = arith.constant 0 : i32
    return %c0_i32, %c0_i32_0 : i32, i32
  }
  func.func @transform_3(%arg0: i32) -> (i32, i32) {
    %c0_i32 = arith.constant 0 : i32
    %c0_i32_0 = arith.constant 0 : i32
    %c0_i32_1 = arith.constant 0 : i32
    return %c0_i32, %c0_i32_0 : i32, i32
  }
  func.func @transform_4(%arg0: i32) -> (i32, i32, i32) {
    %c0_i32 = arith.constant 0 : i32
    %c0_i32_0 = arith.constant 0 : i32
    %c0_i32_1 = arith.constant 0 : i32
    return %arg0, %c0_i32, %c0_i32_0 : i32, i32, i32
  }
  func.func @transform_5(%arg0: i32) -> (i32, i32, i32) {
    %c0_i32 = arith.constant 0 : i32
    %c0_i32_0 = arith.constant 0 : i32
    %c0_i32_1 = arith.constant 0 : i32
    return %arg0, %c0_i32, %c0_i32_0 : i32, i32, i32
  }
}

module attributes {stable_mosaic.version = 14 : i64} {
  func.func @_combine_body(%arg0: i32, %arg1: memref<2x2048x64xf32, #tpu.memory_space<vmem>>, %arg2: memref<2x2048x16xf32, #tpu.memory_space<vmem>>, %arg3: memref<2048x128xf32, #tpu.memory_space<vmem>>) attributes {dimension_semantics = [#tpu.dimension_semantics<arbitrary>], iteration_bounds = array<i64: 5>, scalar_prefetch = 0 : i64, scratch_operands = 0 : i64, tpu.core_type = #tpu.core_type<tc>, window_params = [{transform_indices = @transform_0, window_bounds = array<i64: 2, 2048, 64>}, {transform_indices = @transform_1, window_bounds = array<i64: 2, 2048, 16>}, {transform_indices = @transform_2, window_bounds = array<i64: 2048, 128>}]} {
    %get3A = arith.constant 0 : index
    %get3A_0 = arith.constant 0 : index
    %get3A_1 = arith.constant 0 : index
    %get3A_2 = vector.load %arg2[%get3A, %get3A_0, %get3A_1] : memref<2x2048x16xf32, #tpu.memory_space<vmem>>, vector<1x2048x1xf32>
    %get3A_3 = vector.shape_cast %get3A_2 : vector<1x2048x1xf32> to vector<2048x1xf32>
    %max3A = arith.constant 1.000000e+00 : f32
    %max3A_4 = vector.broadcast %max3A : f32 to vector<2048x1xf32>
    %max3A_5 = arith.maximumf %get3A_3, %max3A_4 : vector<2048x1xf32>
    %div3A = arith.constant 1.000000e+00 : f32
    %div3A_6 = vector.broadcast %div3A : f32 to vector<2048x1xf32>
    %div3A_7 = arith.divf %div3A_6, %max3A_5 : vector<2048x1xf32>
    %get3A_8 = arith.constant 0 : index
    %get3A_9 = arith.constant 0 : index
    %get3A_10 = arith.constant 0 : index
    %get3A_11 = vector.load %arg1[%get3A_8, %get3A_9, %get3A_10] : memref<2x2048x64xf32, #tpu.memory_space<vmem>>, vector<1x2048x64xf32>
    %get3A_12 = vector.shape_cast %get3A_11 : vector<1x2048x64xf32> to vector<2048x64xf32>
    %mul3A = vector.broadcast %div3A_7 : vector<2048x1xf32> to vector<2048x64xf32>
    %mul3A_13 = arith.mulf %get3A_12, %mul3A : vector<2048x64xf32>
    %swap3A = arith.constant 0 : index
    %swap3A_14 = arith.constant 0 : index
    %swap3A_15 = vector.load %arg3[%swap3A, %swap3A_14] : memref<2048x128xf32, #tpu.memory_space<vmem>>, vector<2048x64xf32>
    tpu.vector_store %arg3[%swap3A, %swap3A_14], %mul3A_13 {strides = array<i32>} : memref<2048x128xf32, #tpu.memory_space<vmem>>, vector<2048x64xf32>,
    %get3A_16 = arith.constant 1 : index
    %get3A_17 = arith.constant 0 : index
    %get3A_18 = arith.constant 0 : index
    %get3A_19 = vector.load %arg1[%get3A_16, %get3A_17, %get3A_18] : memref<2x2048x64xf32, #tpu.memory_space<vmem>>, vector<1x2048x64xf32>
    %get3A_20 = vector.shape_cast %get3A_19 : vector<1x2048x64xf32> to vector<2048x64xf32>
    %mul3A_21 = vector.broadcast %div3A_7 : vector<2048x1xf32> to vector<2048x64xf32>
    %mul3A_22 = arith.mulf %get3A_20, %mul3A_21 : vector<2048x64xf32>
    %swap3A_23 = arith.constant 0 : index
    %swap3A_24 = arith.constant 64 : index
    %swap3A_25 = vector.load %arg3[%swap3A_23, %swap3A_24] : memref<2048x128xf32, #tpu.memory_space<vmem>>, vector<2048x64xf32>
    tpu.vector_store %arg3[%swap3A_23, %swap3A_24], %mul3A_22 {strides = array<i32>} : memref<2048x128xf32, #tpu.memory_space<vmem>>, vector<2048x64xf32>,
    return
  }
  func.func @transform_0(%arg0: i32) -> (i32, i32, i32) {
    %c0_i32 = arith.constant 0 : i32
    %c0_i32_0 = arith.constant 0 : i32
    %c0_i32_1 = arith.constant 0 : i32
    return %c0_i32, %arg0, %c0_i32_0 : i32, i32, i32
  }
  func.func @transform_1(%arg0: i32) -> (i32, i32, i32) {
    %c0_i32 = arith.constant 0 : i32
    %c0_i32_0 = arith.constant 0 : i32
    %c0_i32_1 = arith.constant 0 : i32
    return %c0_i32, %arg0, %c0_i32_0 : i32, i32, i32
  }
  func.func @transform_2(%arg0: i32) -> (i32, i32) {
    %c0_i32 = arith.constant 0 : i32
    %c0_i32_0 = arith.constant 0 : i32
    return %arg0, %c0_i32 : i32, i32
  }
}

</mosaic_0001>

<sc_bundles>
// kernel: kernel.5.cloned.1.call-start
scs
__scs_entry_jumppad:
0x0: {  	(pc) =	sbr.rel $0x88, $3  }
0x1: {  	(tag) =	ssettag $0x0;
	lr =	simm.s32 $0x1  }
0x2: {  	[smem:$0x3F9D] =	sst lr;
	_ =	strace $0xD0000000  }
0x3: {  	_ = 	snop  }
0x4: {  	_ = 	snop  }
0x5: {  	_ = 	snop  }
0x6: {  	_ = 	snop  }
0x7: {  	_ = 	snop  }
__scs_overlays_trampoline_lowered:
0x8: {  	[smem:$0x3FAC] =	sst s0  }
0x9: {  	[smem:$0x3FAD] =	sst s1  }
0xa: {  	[smem:$0x3FAE] =	sst s2  }
0xb: {  	[smem:$0x3FAF] =	sst s3  }
0xc: {  	[smem:$0x3FB0] =	sst s4  }
0xd: {  	[smem:$0x3FB1] =	sst s5  }
0xe: {  	[smem:$0x3FB2] =	sst s6  }
0xf: {  	[smem:$0x3FB3] =	sst s7  }
0x10: {  	[smem:$0x3FB4] =	sst s8  }
0x11: {  	[smem:$0x3FB5] =	sst s9;
	s0 =	simm.s32 @!p0 $0x0  }
0x12: {  	s1 =	sld [smem:$0x3F9B];
	s0 =	simm.s32 @p0 $0x1  }
0x13: {  	[smem:$0x3FB6] =	sst s0;
	s0 =	simm.s32 @!p1 $0x0  }
0x14: {  	s2 =	sld [smem:$0x3F9A];
	s0 =	simm.s32 @p1 $0x1  }
0x15: {  	[smem:$0x3FB7] =	sst s0;
	s0 =	simm.s32 @!p2 $0x0  }
0x16: {  	s3 =	sld [smem:$0x3FDB];
	s0 =	simm.s32 @p2 $0x1  }
0x17: {  	s4 =	simm.s32 $0x1BF5;
	[smem:$0x3FB9] =	sst s0  }
0x18: {  	s0 =	sld [smem:$0x3F9C];
	_ =	swait.ge [sflag:s4], $0x0  }
0x19: {  	s7 =	sld [smem:$0x3F9D]  }
0x1a: {  	s8 =	sadd.s32 $0xFFFFE003, lr  }
0x1b: {  	s9 =	sadd.s32 $0xFFFFFEF7, lr;
	s5 =	simm.s32 $0xFFFFFFFF;
	p2 =	slt.u32 s8, $0xFFFFF086  }
0x1c: {  	p1 =	slt.u32 s9, $0xF7A;
	s5 =	simm.s32 @!p2 $0x0  }
0x1d: {  	s5 =	simm.s32 @p1 $0x1;
	p0 =	seq.s32 s7, s2  }
0x1e: {  	s7 =	smul.u32 @!p0 $0xF7A, s2;
	p2 =	seq.s32 @!p0 s5, $0x0  }
0x1f: {  	s9 =	smul.u32 $0xF7A, s1;
	s8 =	simm.s32 @!p0 $0x1BF5;
	p2 =	por !p2, p0  }
0x20: {  	[sflag:s8] =	ssyncset.s32 @!p0 $0xFFFFF086;
	s6 =	sadd.s32 @!p0 s3, s7;
	s7 =	simm.s32 @!p0 $0x108  }
0x21: {  	s3 =	sadd.s32 s3, s9;
	s6 =	sadd.s32 @!p0 $0x88, s6;
	s7 =	simm.s32 @p2 $0x1082  }
0x22: {  	[simem:s7], [sflag:s8] =	dma.local @!p0 [hbm:s6], $0xF7A  }
0x23: {  	s9 =	sor.u32 $0xD0000000, s2;
	s6 =	simm.s32 $0x108;
	_ =	swait.ge @!p0 [sflag:s8], $0x0  }
0x24: {  	s3 =	sadd.s32 $0x88, s3;
	s6 =	simm.s32 @!p1 $0x1082;
	[sflag:s4] =	ssyncset.s32 $0xFFFFF086  }
0x25: {  	[simem:s6], [sflag:s4] =	dma.local [hbm:s3], $0xF7A  }
0x26: {  	[smem:$0x3F9D] =	sst s1;
	(tag) =	ssettag s2;
	_ =	strace s9  }
0x27: {  	s1 =	sld [smem:$0x3FAD]  }
0x28: {  	s2 =	sld [smem:$0x3FAE]  }
0x29: {  	s4 =	sld [smem:$0x3FB0]  }
0x2a: {  	p0 =	seq.s32 s5, $0x0;
	s5 =	sld [smem:$0x3FB1]  }
0x2b: {  	s6 =	sld [smem:$0x3FB2]  }
0x2c: {  	s7 =	sld [smem:$0x3FB3]  }
0x2d: {  	s3 =	simm.s32 $0x108;
	s8 =	sld [smem:$0x3FB4]  }
0x2e: {  	s3 =	simm.s32 @!p0 $0x1082;
	s9 =	sld [smem:$0x3FB5]  }
0x2f: {  	lr =	sadd.s32 s0, s3;
	s0 =	sld [smem:$0x3FAC]  }
0x30: {  	s3 =	sld [smem:$0x3FAF]  }
0x31: {  	[smem:$0x3FB8] =	sst s10  }
0x32: {  	s10 =	sld [smem:$0x3FB6];
	_ =	sdelay $0x3  }
0x33: {  	p0 =	seq.s32 s10, $0x1;
	s10 =	sld [smem:$0x3FB8];
	_ =	sdelay $0x3  }
0x34: {  	[smem:$0x3FB8] =	sst s10  }
0x35: {  	s10 =	sld [smem:$0x3FB7];
	_ =	sdelay $0x3  }
0x36: {  	p1 =	seq.s32 s10, $0x1;
	s10 =	sld [smem:$0x3FB8];
	_ =	sdelay $0x3  }
0x37: {  	[smem:$0x3FB8] =	sst s10  }
0x38: {  	s10 =	sld [smem:$0x3FB9]  }
0x39: {  	_ = 	snop;
	(pc) =	sbr.ind lr, $3  }
0x3a: {  	_ = 	snop  }
0x3b: {  	_ = 	snop  }
0x3c: {  	p2 =	seq.s32 s10, $0x1;
	s10 =	sld [smem:$0x3FB8]  }
0x3d: {  	_ =	shalt  }
0x3e: {  	_ =	shalt  }
0x3f: {  	_ =	shalt  }
0x40: {  	_ =	shalt  }
0x41: {  	_ =	shalt  }
0x42: {  	_ =	shalt  }
0x43: {  	_ =	shalt  }
0x44: {  	_ =	shalt  }
0x45: {  	_ =	shalt  }
0x46: {  	_ =	shalt  }
0x47: {  	_ =	shalt  }
0x48: {  	_ =	shalt  }
0x49: {  	_ =	shalt  }
0x4a: {  	_ =	shalt  }
0x4b: {  	_ =	shalt  }
0x4c: {  	_ =	shalt  }
0x4d: {  	_ =	shalt  }
0x4e: {  	_ =	shalt  }
0x4f: {  	_ =	shalt  }
0x50: {  	_ =	shalt  }
0x51: {  	_ =	shalt  }
0x52: {  	_ =	shalt  }
0x53: {  	_ =	shalt  }
0x54: {  	_ =	shalt  }
0x55: {  	_ =	shalt  }
0x56: {  	_ =	shalt  }
0x57: {  	_ =	shalt  }
0x58: {  	_ =	shalt  }
0x59: {  	_ =	shalt  }
0x5a: {  	_ =	shalt  }
0x5b: {  	_ =	shalt  }
0x5c: {  	_ =	shalt  }
0x5d: {  	_ =	shalt  }
0x5e: {  	_ =	shalt  }
0x5f: {  	_ =	shalt  }
0x60: {  	_ =	shalt  }
0x61: {  	_ =	shalt  }
0x62: {  	_ =	shalt  }
0x63: {  	_ =	shalt  }
0x64: {  	_ =	shalt  }
0x65: {  	_ =	shalt  }
0x66: {  	_ =	shalt  }
0x67: {  	_ =	shalt  }
0x68: {  	_ =	shalt  }
0x69: {  	_ =	shalt  }
0x6a: {  	_ =	shalt  }
0x6b: {  	_ =	shalt  }
0x6c: {  	_ =	shalt  }
0x6d: {  	_ =	shalt  }
0x6e: {  	_ =	shalt  }
0x6f: {  	_ =	shalt  }
0x70: {  	_ =	shalt  }
0x71: {  	_ =	shalt  }
0x72: {  	_ =	shalt  }
0x73: {  	_ =	shalt  }
0x74: {  	_ =	shalt  }
0x75: {  	_ =	shalt  }
0x76: {  	_ =	shalt  }
0x77: {  	_ =	shalt  }
0x78: {  	_ =	shalt  }
0x79: {  	_ =	shalt  }
0x7a: {  	_ =	shalt  }
0x7b: {  	_ =	shalt  }
0x7c: {  	_ =	shalt  }
0x7d: {  	_ =	shalt  }
0x7e: {  	_ =	shalt  }
0x7f: {  	_ =	shalt  }
0x80: {  	_ =	shalt  }
0x81: {  	_ =	shalt  }
0x82: {  	_ =	shalt  }
0x83: {  	_ =	shalt  }
0x84: {  	_ =	shalt  }
0x85: {  	_ =	shalt  }
0x86: {  	_ =	shalt  }
0x87: {  	_ =	shalt  }
.Lfunc_end0:
.L_simem_size_0:
called_computation_lowered:
.L_overlay_start_0:
0x88: {  	s2 =	sld [smem:$0x3FD9]  }
0x89: {  	s3 =	sld [smem:$0x3FFE];
	_ =	sdelay $0x1  }
0x8a: {  	s1 =	srdreg.scid  }
0x8b: {  	s0 =	sand.u32 $0x1, s1  }
0x8c: {  	s17 =	sshll.u32 s0, $0xA;
	s2 =	sadd.s32 s3, s2  }
0x8d: {  	s2 =	sadd.s32 s2, s17  }
0x8e: {  	[smem:$0x3FC4] =	sst s2  }
0x8f: {  	_ = 	snop  }
0x90: {  	s2 =	sld [smem:$0x3FD0];
	(tm) =	ssettm $0x1  }
0x91: {  	s18 =	sld [smem:$0x3FFB];
	_ =	sdelay $0x3  }
0x92: {  	_ =	strace s18  }
0x93: {  	s3 =	sld [smem:$0x3FFC];
	_ =	sdelay $0x3  }
0x94: {  	_ =	strace s3  }
0x95: {  	s3 =	sld [smem:$0x3FFD];
	_ =	sdelay $0x3  }
0x96: {  	_ =	strace s3  }
0x97: {  	_ =	strace $0x8FFFFFFF  }
0x98: {  	s19 =	sld [smem:$0x3FDB];
	_ =	sdelay $0x1  }
0x99: {  	s4 =	simm.s32 $_scs_section_size  }
0x9a: {  	s5 =	simm.s32 $_size__tile_overlayer_lowered;
	s6 =	simm.s32 $_tile_overlayer_lowered  }
0x9b: {  	s22 =	simm.s32 $0x1BFF;
	s21 =	sshll.u32 s6, $0x1;
	s3 =	sadd.s32 s4, s19  }
0x9c: {  	s7 =	simm.s32 $0x0;
	s20 =	sshll.u32 s5, $0x1;
	s5 =	sadd.s32 s21, s3  }
0x9d: {  	[timem:s7], [sflag:s22] =	dma.local [hbm:s5], s20  }
0x9e: {  	_ =	swait.ge [sflag:s22], s20  }
0x9f: {  	s4 =	ssub.s32 $0x0, s20;
	[sflag:s22] =	ssyncset.done $0x0  }
0xa0: {  	[sflag:s22] =	ssyncadd.s32 s4;
	_ =	sdelay $0x1  }
0xa1: {  	s23 =	simm.s32 $0x1B8B  }
0xa2: {  	_ =	swait.ge [sflag:s23], $0x1  }
0xa3: {  	[sflag:s23] =	ssyncset.done $0x0  }
0xa4: {  	s25 =	simm.s32 $0x1B8E;
	s24 =	sld [smem:$0x3FFE];
	[sflag:s23] =	ssyncadd.s32 $0xFFFFFFFF  }
0xa5: {  	s26 =	simm.s32 $execute0_lowered;
	[smem:$0x3FD2] =	sst s25  }
0xa6: {  	s5 =	sshll.u32 s26, $0x1;
	_ =	strace $0x80000046;
	[dreg:$0x1] =	wrdreg $0xFFFFFFFF  }
0xa7: {  	s28 =	simm.s32 $_size_execute0_lowered;
	s3 =	sadd.s32 s3, s5;
	[dreg:$0x0] =	wrdreg $0x0  }
0xa8: {  	s5 =	sshll.u32 s28, $0x1;
	[dreg:$0x2] =	wrdreg s3  }
0xa9: {  	[dreg:$0x3] =	wrdreg s5  }
0xaa: {  	[dreg:$0x4] =	wrdreg $0xC0  }
0xab: {  	_ =	task [dreg:s7], $0x5FFFF  }
0xac: {  	[dreg:$0x1] =	wrdreg $0xFFFFFFFF  }
0xad: {  	[dreg:$0x0] =	wrdreg $0x60  }
0xae: {  	[dreg:$0x2] =	wrdreg s24  }
0xaf: {  	[dreg:$0x3] =	wrdreg s2  }
0xb0: {  	[dreg:$0x4] =	wrdreg $0x52000  }
0xb1: {  	[dreg:$0x5] =	wrdreg $0xF2000  }
0xb2: {  	[dreg:$0x6] =	wrdreg $0x9  }
0xb3: {  	_ =	task.clear_ibuf [dreg:s7], $0x7FFFF;
	_ =	strace $0x90000046  }
0xb4: {  	s29 =	simm.s32 $0x9;
	_ =	strace $0x80000048  }
0xb5: {  	_ =	swait.ge [sflag:s29], $0x1  }
0xb6: {  	[sflag:s29] =	ssyncadd.s32 $0xFFFFFFFF  }
0xb7: {  	_ =	strace $0x90000048  }
0xb8: {  	_ =	sfence  }
0xb9: {  	s30 =	sld [smem:$0x0];
	_ =	sdelay $0x2  }
0xba: {  	s31 =	sshll.u32 s1, $0xD;
	s1 =	sshrl.u32 s1, $0x2  }
0xbb: {  	s3 =	sand.u32 $0x4000, s31;
	s1 =	sadd.s32 s1, s30  }
0xbc: {  	s0 =	sor.u32 s3, s0;
	s1 =	sshll.u32 s1, $0x11  }
0xbd: {  	s0 =	sor.u32 s1, s0  }
0xbe: {  	s0 =	sadd.s32 $0x8F2B, s0  }
0xbf: {  	[sflag:s0] =	ssyncadd.remote.s32 $0x1  }
0xc0: {  	_ =	sfence.sel $0xFFFF  }
0xc1: {  	[dreg:$0x0] =	wrdreg $0xFFFFFFFF;
	(pc) =	sbr.abs _section_cstart, $3  }
0xc2: {  	[dreg:$0x1] =	wrdreg $0xFFFFFFFF  }
0xc3: {  	_ =	task.clear_ibuf [dreg:s7], $0x2FFFF;
	_ =	strace $0x9FFFFFFF  }
0xc4: {  	(tm) =	ssettm $0x7FFFFFFF  }
0xc5: {  	_ =	shalt  }
tec
execute0_lowered:
.L_overlay_start_1:
0x0: {  	(tag) =	ssettag $0x1  }
0x1: {  	s0 =	rddreg [dreg:$0x0]  }
0x2: {  	s4 =	rddreg [dreg:$0x1]  }
0x3: {  	s1 =	rddreg [dreg:$0x2];
	s26 =	stileid.u32  }
0x4: {  	s2 =	simm.s32 $0x0;
	s3 =	srdreg.scid;
	s5 =	smul.u32 $0x280, s26  }
0x5: {  	[smem:$0x7FF] =	sst s2;
	s21 =	sand.u32 $0x1, s3;
	s11 =	smul.u32 $0xA000, s26  }
0x6: {  	s6 =	sadd.s32 $0x78A00, s0;
	s3 =	ssub.s32 $0x2, s21;
	s7 =	smul.u32 $0xA0000, s21  }
0x7: {  	s9 =	smul.u32 $0x28000, s21;
	v0 =	vmov s21;
	s21 =	simm.s32 $0x2;
	s8 =	sshrl.u32 s3, $0x1  }
0x8: {  	s10 =	sadd.s32 $0x80, s5;
	s12 =	sadd.s32 $0x100, s5;
	s14 =	sadd.s32 $0x180, s5  }
0x9: {  	s5 =	sadd.s32 $0x200, s5;
	s8 =	ssub.s32 s3, s8;
	s13 =	sshll.u32 s10, $0x6  }
0xa: {  	s3 =	smul.u32 $0x2800, s26;
	s19 =	sshll.u32 s12, $0x6;
	s20 =	sshll.u32 s14, $0x6  }
0xb: {  	s15 =	sadd.s32 s7, s11;
	s22 =	sshll.u32 s5, $0x6;
	s10 =	sshll.u32 s10, $0x4  }
0xc: {  	s5 =	sshll.u32 s5, $0x4;
	s15 =	sshrl.u32 s15, $0x3;
	s23 =	sadd.s32 s7, s13  }
0xd: {  	s24 =	sadd.s32 s9, s10;
	s17 =	sadd.s32 s7, s19;
	s31 =	sadd.s32 s7, s20  }
0xe: {  	s7 =	sadd.s32 s7, s22;
	s28 =	sadd.s32 s20, s1;
	s20 =	sshrl.u32 s20, $0x2  }
0xf: {  	s30 =	sadd.s32 s22, s1;
	s22 =	sshrl.u32 s22, $0x2;
	s16 =	sadd.s32 s9, s3  }
0x10: {  	s15 =	sadd.s32 s6, s15;
	s25 =	sshrl.u32 s24, $0x3;
	s29 =	sshrl.u32 s17, $0x3  }
0x11: {  	s24 =	sshll.u32 s12, $0x4;
	s17 =	sshrl.u32 s31, $0x3;
	s7 =	sshrl.u32 s7, $0x3  }
0x12: {  	[dreg:$0x5] =	wrdreg s15;
	s18 =	sshrl.u32 s16, $0x3;
	s16 =	sadd.s32 s6, s29  }
0x13: {  	s31 =	smul.u32 $0x28000, s26;
	s12 =	sadd.s32 s6, s17;
	[dreg:$0x8] =	wrdreg s16  }
0x14: {  	s17 =	sadd.s32 $0x32800, s0;
	s15 =	sadd.s32 s4, s18;
	[dreg:$0x9] =	wrdreg s12  }
0x15: {  	s18 =	sadd.s32 s9, s24;
	s12 =	rddreg [dreg:$0x3];
	s16 =	sadd.s32 $0x50A00, s0  }
0x16: {  	[dreg:$0x6] =	wrdreg s15;
	s15 =	sshrl.u32 s23, $0x3;
	s23 =	sadd.s32 s4, s25  }
0x17: {  	s15 =	sadd.s32 s6, s15;
	s6 =	sadd.s32 s6, s7;
	[dreg:$0xb] =	wrdreg s23  }
0x18: {  	s7 =	sshll.u32 s14, $0x4;
	s23 =	sadd.s32 s13, s1;
	[dreg:$0x7] =	wrdreg s15  }
0x19: {  	s14 =	sshrl.u32 s13, $0x2;
	s13 =	simm.s32 $0x100;
	[dreg:$0xa] =	wrdreg s6  }
0x1a: {  	s6 =	sshrl.u32 s18, $0x3;
	s25 =	sadd.s32 s9, s7;
	s9 =	sadd.s32 s9, s5  }
0x1b: {  	s15 =	sadd.s32 $0xA00, s0;
	s18 =	sadd.s32 $0x28A00, s0;
	s5 =	sadd.s32 s5, s12  }
0x1c: {  	s6 =	sadd.s32 s4, s6;
	s29 =	sshrl.u32 s9, $0x3;
	s9 =	sadd.s32 s11, s1  }
0x1d: {  	s11 =	sshrl.u32 s11, $0x2;
	[dreg:$0xc] =	wrdreg s6;
	s6 =	sshrl.u32 s25, $0x3  }
0x1e: {  	s25 =	sadd.s32 s19, s1;
	s19 =	sshrl.u32 s19, $0x2;
	s6 =	sadd.s32 s4, s6  }
0x1f: {  	s4 =	sadd.s32 s4, s29;
	s29 =	sadd.s32 s3, s12;
	[dreg:$0xd] =	wrdreg s6  }
0x20: {  	s3 =	sadd.s32 s24, s12;
	[dreg:$0xe] =	wrdreg s4;
	s6 =	smax.u32 s8, $0x1  }
0x21: {  	s24 =	simm.s32 $0x0;
	_ =	strace $0x80000047;
	[dreg:$0xf] =	wrdreg s6  }
0x22: {  	s8 =	sshrl.u32 s31, $0x2;
	s31 =	sadd.s32 s10, s12;
	[dreg:$0x11] =	wrdreg s9  }
0x23: {  	s4 =	sadd.s32 s7, s12;
	s7 =	simm.s32 $0x200;
	[dreg:$0x17] =	wrdreg s29  }
0x24: {  	s10 =	simm.s32 $0x80;
	s0 =	sadd.s32 s8, s1;
	[dreg:$0x18] =	wrdreg s31  }
0x25: {  	s6 =	smul.u32 $0x4E80, s26;
	[dreg:$0x10] =	wrdreg s0;
	s0 =	sadd.s32 s11, s12  }
0x26: {  	s8 =	simm.s32 $0x3;
	[dreg:$0x12] =	wrdreg s0;
	s0 =	sadd.s32 s14, s12  }
0x27: {  	s9 =	simm.s32 $0x4A00;
	[dreg:$0x13] =	wrdreg s0;
	s0 =	sadd.s32 s19, s12  }
0x28: {  	s14 =	simm.s32 $0x180;
	[dreg:$0x14] =	wrdreg s0;
	s0 =	sadd.s32 s20, s12  }
0x29: {  	s19 =	simm.s32 $0x2200;
	[dreg:$0x15] =	wrdreg s0;
	s0 =	sadd.s32 s22, s12  }
0x2a: {  	v1 =	vimm.f32 $0.0e+00;
	v2 =	vimm.f32 $1.000000000e+00;
	s20 =	simm.s32 $0x1;
	s22 =	simm.s32 $0x4200;
	[dreg:$0x16] =	wrdreg s0  }
.LBB2_1:
0x2b: {  	s11 =	simm.s32 $0x220  }
0x2c: {  	[tilespmem:s11+$0xFFFFFFE0] =	vst v1  }
0x2d: {  	[tilespmem:s11+$0x10] =	vst v1  }
0x2e: {  	[tilespmem:s11+$0x0] =	vst v1  }
0x2f: {  	s26 =	simm.s32 $0x40;
	s29 =	simm.s32 $0x0;
	[tilespmem:s11+$0xFFFFFFF0] =	vst v1  }
.LBB2_2:
0x30: {  	p0 =	sne.s32 s26, $0x1FC0  }
0x31: {  	[tilespmem:s29+$0x4200] =	vst v2;
	s11 =	sadd.s32 $0x40, s11;
	s31 =	smov.u32 s26;
	s26 =	sadd.s32 $0x40, s26  }
.Ltmp0:
0x32: {  	[tilespmem:s29+$0x4A00] =	vst v1;
	(pc) =	sbr.rel @p0 .LBB2_2-.Ltmp0, $4  }
0x33: {  	[tilespmem:s11+$0xFFFFFFE0] =	vst v1  }
0x34: {  	[tilespmem:s11+$0x10] =	vst v1  }
0x35: {  	[tilespmem:s11+$0x0] =	vst v1  }
0x36: {  	s29 =	sshra.s32 s31, $0x2;
	[tilespmem:s11+$0xFFFFFFF0] =	vst v1  }
0x37: {  	[tilespmem:s29+$0x4200] =	vst v2  }
0x38: {  	[tilespmem:s29+$0x4A00] =	vst v1;
	s0 =	rddreg [dreg:$0x10]  }
0x39: {  	[spmem:s0] =	stream.linear.scatter [tilespmem:s7], [sflag:$0x3], $0x2000, $0x38;
	[tilespmem:$0x11A00] =	vst v63  }
0x3a: {  	_ =	swait.ge [sflag:s8], $0x2000  }
0x3b: {  	[sflag:s8] =	ssyncset.done $0x0  }
0x3c: {  	s26 =	rddreg [dreg:$0x12];
	[sflag:s8] =	ssyncadd.s32 $0xFFFFE000  }
0x3d: {  	[spmem:s26] =	stream.linear.scatter [tilespmem:s9], [sflag:$0x3], $0x800, $0x38;
	[tilespmem:$0x11A00] =	vst v63  }
0x3e: {  	_ =	swait.ge [sflag:s8], $0x800  }
0x3f: {  	[sflag:s8] =	ssyncset.done $0x0  }
0x40: {  	[sflag:s8] =	ssyncadd.s32 $0xFFFFF800  }
0x41: {  	[spmem:s23] =	stream.linear.scatter [tilespmem:s7], [sflag:$0x3], $0x2000, $0x38;
	[tilespmem:$0x11A00] =	vst v63  }
0x42: {  	_ =	swait.ge [sflag:s8], $0x2000  }
0x43: {  	[sflag:s8] =	ssyncset.done $0x0  }
0x44: {  	s31 =	rddreg [dreg:$0x13];
	[sflag:s8] =	ssyncadd.s32 $0xFFFFE000  }
0x45: {  	[spmem:s31] =	stream.linear.scatter [tilespmem:s9], [sflag:$0x3], $0x800, $0x38;
	[tilespmem:$0x11A00] =	vst v63  }
0x46: {  	_ =	swait.ge [sflag:s8], $0x800  }
0x47: {  	[sflag:s8] =	ssyncset.done $0x0  }
0x48: {  	[sflag:s8] =	ssyncadd.s32 $0xFFFFF800  }
0x49: {  	[spmem:s25] =	stream.linear.scatter [tilespmem:s7], [sflag:$0x3], $0x2000, $0x38;
	[tilespmem:$0x11A00] =	vst v63  }
0x4a: {  	_ =	swait.ge [sflag:s8], $0x2000  }
0x4b: {  	[sflag:s8] =	ssyncset.done $0x0  }
0x4c: {  	s11 =	rddreg [dreg:$0x14];
	[sflag:s8] =	ssyncadd.s32 $0xFFFFE000  }
0x4d: {  	[spmem:s11] =	stream.linear.scatter [tilespmem:s9], [sflag:$0x3], $0x800, $0x38;
	[tilespmem:$0x11A00] =	vst v63  }
0x4e: {  	_ =	swait.ge [sflag:s8], $0x800  }
0x4f: {  	[sflag:s8] =	ssyncset.done $0x0  }
0x50: {  	[sflag:s8] =	ssyncadd.s32 $0xFFFFF800  }
0x51: {  	[spmem:s28] =	stream.linear.scatter [tilespmem:s7], [sflag:$0x3], $0x2000, $0x38;
	[tilespmem:$0x11A00] =	vst v63  }
0x52: {  	_ =	swait.ge [sflag:s8], $0x2000  }
0x53: {  	[sflag:s8] =	ssyncset.done $0x0  }
0x54: {  	s26 =	rddreg [dreg:$0x15];
	[sflag:s8] =	ssyncadd.s32 $0xFFFFE000  }
0x55: {  	[spmem:s26] =	stream.linear.scatter [tilespmem:s9], [sflag:$0x3], $0x800, $0x38;
	[tilespmem:$0x11A00] =	vst v63  }
0x56: {  	_ =	swait.ge [sflag:s8], $0x800  }
0x57: {  	[sflag:s8] =	ssyncset.done $0x0  }
0x58: {  	[sflag:s8] =	ssyncadd.s32 $0xFFFFF800  }
0x59: {  	[spmem:s30] =	stream.linear.scatter [tilespmem:s7], [sflag:$0x3], $0x2000, $0x38;
	[tilespmem:$0x11A00] =	vst v63  }
0x5a: {  	_ =	swait.ge [sflag:s8], $0x2000  }
0x5b: {  	[sflag:s8] =	ssyncset.done $0x0  }
0x5c: {  	s31 =	rddreg [dreg:$0x16];
	[sflag:s8] =	ssyncadd.s32 $0xFFFFE000  }
0x5d: {  	[spmem:s31] =	stream.linear.scatter [tilespmem:s9], [sflag:$0x3], $0x800, $0x38;
	[tilespmem:$0x11A00] =	vst v63  }
0x5e: {  	_ =	swait.ge [sflag:s8], $0x800  }
0x5f: {  	[sflag:s8] =	ssyncset.done $0x0  }
0x60: {  	[sflag:s8] =	ssyncadd.s32 $0xFFFFF800  }
0x61: {  	s29 =	simm.s32 $0x0;
	s26 =	simm.s32 $0x0;
	[bflag:$0x0] =	sbarrier.arrive $0xFFFF  }
.LBB2_4:
0x62: {  	s11 =	sshll.u32 s29, $0x7  }
0x63: {  	s11 =	sadd.s32 s6, s11  }
0x64: {  	s11 =	sshrl.u32 s11, $0x3  }
0x65: {  	s31 =	sadd.s32 s17, s11  }
0x66: {  	[tilespmem:s26], [sflag:$0x3] =	stream.linear.gather [hbm4b:s31+s26], $0x80, $0x38;
	[tilespmem:$0x11A00] =	vst v63  }
0x67: {  	_ =	swait.ge [sflag:s8], $0x80  }
0x68: {  	[sflag:s8] =	ssyncset.done $0x0  }
0x69: {  	s11 =	sadd.s32 s18, s11;
	[sflag:s8] =	ssyncadd.s32 $0xFFFFFF80  }
0x6a: {  	[tilespmem:s10], [sflag:$0x3] =	stream.linear.gather [hbm4b:s11+s26], $0x80, $0x38;
	[tilespmem:$0x11A00] =	vst v63  }
0x6b: {  	_ =	swait.ge [sflag:s8], $0x80  }
0x6c: {  	[sflag:s8] =	ssyncset.done $0x0  }
0x6d: {  	[sflag:s8] =	ssyncadd.s32 $0xFFFFFF80  }
0x6e: {  	v3 =	vld [tilespmem:$0x0]  }
0x6f: {  	v4 =	vld [tilespmem:$0x80]  }
0x70: {  	v5 =	vld [tilespmem:$0x10]  }
0x71: {  	v6 =	vld [tilespmem:$0x90]  }
0x72: {  	v7 =	vld [tilespmem:$0x20]  }
0x73: {  	v8 =	vld [tilespmem:$0xA0];
	v3 =	vshll.u32 v3, $0x1  }
0x74: {  	v9 =	vld [tilespmem:$0x30];
	v4 =	vshll.u32 v4, $0x1;
	v3 =	vor.u32 v0, v3  }
0x75: {  	[tilespmem:$0x100] =	vst v3;
	v3 =	vor.u32 v0, v4;
	v4 =	vshll.u32 v5, $0x1;
	v5 =	vld [tilespmem:$0xB0]  }
0x76: {  	[tilespmem:$0x180] =	vst v3;
	v3 =	vor.u32 v0, v4;
	v4 =	vshll.u32 v6, $0x1;
	v6 =	vld [tilespmem:$0x40]  }
0x77: {  	[tilespmem:$0x110] =	vst v3;
	v3 =	vor.u32 v0, v4;
	v4 =	vshll.u32 v7, $0x1;
	v7 =	vld [tilespmem:$0xC0]  }
0x78: {  	[tilespmem:$0x190] =	vst v3;
	v3 =	vor.u32 v0, v4;
	v4 =	vshll.u32 v8, $0x1;
	v8 =	vld [tilespmem:$0x50]  }
0x79: {  	[tilespmem:$0x120] =	vst v3;
	v3 =	vor.u32 v0, v4;
	v4 =	vshll.u32 v9, $0x1;
	v9 =	vld [tilespmem:$0xD0]  }
0x7a: {  	[tilespmem:$0x1A0] =	vst v3;
	v3 =	vor.u32 v0, v4;
	v4 =	vshll.u32 v5, $0x1;
	v5 =	vld [tilespmem:$0x60]  }
0x7b: {  	[tilespmem:$0x130] =	vst v3;
	v3 =	vor.u32 v0, v4;
	v4 =	vshll.u32 v6, $0x1;
	v6 =	vld [tilespmem:$0xE0]  }
0x7c: {  	[tilespmem:$0x1B0] =	vst v3;
	v3 =	vor.u32 v0, v4;
	v4 =	vshll.u32 v7, $0x1;
	v7 =	vld [tilespmem:$0x70]  }
0x7d: {  	[tilespmem:$0x140] =	vst v3;
	v3 =	vor.u32 v0, v4;
	v4 =	vshll.u32 v8, $0x1;
	v8 =	vld [tilespmem:$0xF0]  }
0x7e: {  	[tilespmem:$0x1C0] =	vst v3;
	v3 =	vor.u32 v0, v4;
	v4 =	vshll.u32 v9, $0x1  }
0x7f: {  	[tilespmem:$0x150] =	vst v3;
	v3 =	vor.u32 v0, v4;
	v4 =	vshll.u32 v5, $0x1  }
0x80: {  	[tilespmem:$0x1D0] =	vst v3;
	v3 =	vor.u32 v0, v4;
	v4 =	vshll.u32 v6, $0x1  }
0x81: {  	[tilespmem:$0x160] =	vst v3;
	v3 =	vor.u32 v0, v4;
	v4 =	vshll.u32 v7, $0x1  }
0x82: {  	[tilespmem:$0x1E0] =	vst v3;
	v3 =	vor.u32 v0, v4;
	v4 =	vshll.u32 v8, $0x1  }
0x83: {  	[tilespmem:$0x170] =	vst v3;
	v3 =	vor.u32 v0, v4  }
0x84: {  	[tilespmem:$0x1F0] =	vst v3  }
0x85: {  	[tilespmem:s7], [sflag:$0x1] =	stream.indirect.gather [hbm4b:s15+s10], $0x40, s13, s10, $0xb8;
	[tilespmem:$0x11A00] =	vst v63  }
0x86: {  	_ = 	snop  }
0x87: {  	[tilespmem:s19], [sflag:$0x2] =	stream.indirect.gather [hbm4b:s16+s10], $0x40, s14, s10, $0xb8;
	[tilespmem:$0x11A00] =	vst v63  }
0x88: {  	_ =	swait.ge [sflag:s20], $0x2000  }
0x89: {  	[sflag:s20] =	ssyncset.done $0x0  }
0x8a: {  	[sflag:s20] =	ssyncadd.s32 $0xFFFFE000  }
0x8b: {  	_ =	swait.ge [sflag:s21], $0x2000  }
0x8c: {  	[sflag:s21] =	ssyncset.done $0x0  }
0x8d: {  	s31 =	simm.s32 $0x0;
	[sflag:s21] =	ssyncadd.s32 $0xFFFFE000  }
0x8e: {  	v5 =	vld [tilespmem:s31+$0x2200]  }
0x8f: {  	v6 =	vld [tilespmem:s31+$0x2210]  }
0x90: {  	v4 =	vld [tilespmem:s31+$0x2220]  }
0x91: {  	v3 =	vld [tilespmem:s31+$0x2230]  }
0x92: {  	v7 =	vld [tilespmem:s31+$0x200]  }
0x93: {  	v9 =	vld [tilespmem:s31+$0x210]  }
0x94: {  	s11 =	simm.s32 $0x100;
	v8 =	vld [tilespmem:s31+$0x220]  }
.LBB2_5:
0x95: {  	p0 =	sne.s32 s11, $0x7F00;
	v10 =	vld [tilespmem:s31+$0x230]  }
0x96: {  	s0 =	sshra.s32 s11, $0x2  }
0x97: {  	v7 =	vadd.f32 v5, v7;
	v5 =	vld [tilespmem:s0+$0x2200]  }
0x98: {  	v9 =	vadd.f32 v6, v9;
	v6 =	vld [tilespmem:s0+$0x2210]  }
.Ltmp1:
0x99: {  	v7 =	vmax.f32 v7, $0.0e+00;
	v8 =	vadd.f32 v4, v8;
	v4 =	vld [tilespmem:s0+$0x2220];
	(pc) =	sbr.rel @p0 .LBB2_5-.Ltmp1, $4  }
0x9a: {  	[tilespmem:s31+$0x200] =	vst v7;
	v9 =	vmax.f32 v9, $0.0e+00;
	v10 =	vadd.f32 v3, v10;
	v3 =	vld [tilespmem:s0+$0x2230]  }
0x9b: {  	v7 =	vld [tilespmem:s0+$0x200];
	[tilespmem:s31+$0x210] =	vst v9;
	v8 =	vmax.f32 v8, $0.0e+00  }
0x9c: {  	v9 =	vld [tilespmem:s0+$0x210];
	[tilespmem:s31+$0x220] =	vst v8;
	v10 =	vmax.f32 v10, $0.0e+00  }
0x9d: {  	s11 =	sadd.s32 $0x100, s11;
	v8 =	vld [tilespmem:s0+$0x220];
	[tilespmem:s31+$0x230] =	vst v10;
	s31 =	smov.u32 s0  }
0x9e: {  	v10 =	vld [tilespmem:s31+$0x230];
	_ =	sdelay $0x1  }
0x9f: {  	v5 =	vadd.f32 v5, v7  }
0xa0: {  	v6 =	vadd.f32 v6, v9  }
0xa1: {  	v5 =	vmax.f32 v5, $0.0e+00;
	v4 =	vadd.f32 v4, v8  }
0xa2: {  	[tilespmem:s31+$0x200] =	vst v5;
	v63 =	vmax.f32 v6, $0.0e+00;
	v3 =	vadd.f32 v3, v10  }
0xa3: {  	[tilespmem:s31+$0x210] =	vst v63;
	v4 =	vmax.f32 v4, $0.0e+00  }
0xa4: {  	[tilespmem:s31+$0x220] =	vst v4;
	v3 =	vmax.f32 v3, $0.0e+00  }
0xa5: {  	[tilespmem:s31+$0x230] =	vst v3  }
0xa6: {  	[spmem:s1] =	stream.indirect.scatter.add.f32 [tilespmem:s7], [sflag:$0x3], $0x40, s2, s10, $0xb8;
	[tilespmem:$0x11A00] =	vst v63  }
0xa7: {  	s29 =	sadd.s32 $0x1, s29;
	_ =	swait.ge [sflag:s8], $0x2000  }
0xa8: {  	p0 =	sne.s32 s29, $0x9D;
	[sflag:s8] =	ssyncset.done $0x0  }
.Ltmp2:
0xa9: {  	[sflag:s8] =	ssyncadd.s32 $0xFFFFE000;
	(pc) =	sbr.rel @p0 .LBB2_4-.Ltmp2, $4  }
0xaa: {  	[spmem:s12] =	stream.indirect.scatter.add.f32 [tilespmem:s22], [sflag:$0x3], $0x10, s2, s10, $0xb8;
	[tilespmem:$0x11A00] =	vst v63  }
0xab: {  	_ =	swait.ge [sflag:s8], $0x800  }
0xac: {  	[sflag:s8] =	ssyncset.done $0x0  }
0xad: {  	[sflag:s8] =	ssyncadd.s32 $0xFFFFF800  }
0xae: {  	[bflag:$0x0] =	sbarrier.arrive $0xFFFF  }
0xaf: {  	s0 =	rddreg [dreg:$0x11]  }
0xb0: {  	[tilespmem:s7], [sflag:$0x3] =	stream.linear.gather [spmem:s0], $0x2000, $0x38;
	[tilespmem:$0x11A00] =	vst v63  }
0xb1: {  	_ =	swait.ge [sflag:s8], $0x2000  }
0xb2: {  	[sflag:s8] =	ssyncset.done $0x0  }
0xb3: {  	s31 =	rddreg [dreg:$0x5];
	[sflag:s8] =	ssyncadd.s32 $0xFFFFE000  }
0xb4: {  	[hbm4b:s31+s2] =	stream.linear.scatter [tilespmem:s7], [sflag:$0x3], $0x2000, $0x38;
	[tilespmem:$0x11A00] =	vst v63  }
0xb5: {  	_ =	swait.ge [sflag:s8], $0x2000  }
0xb6: {  	[sflag:s8] =	ssyncset.done $0x0  }
0xb7: {  	s11 =	rddreg [dreg:$0x17];
	[sflag:s8] =	ssyncadd.s32 $0xFFFFE000  }
0xb8: {  	[tilespmem:s9], [sflag:$0x3] =	stream.linear.gather [spmem:s11], $0x800, $0x38;
	[tilespmem:$0x11A00] =	vst v63  }
0xb9: {  	_ =	swait.ge [sflag:s8], $0x800  }
0xba: {  	[sflag:s8] =	ssyncset.done $0x0  }
0xbb: {  	s26 =	rddreg [dreg:$0x6];
	[sflag:s8] =	ssyncadd.s32 $0xFFFFF800  }
0xbc: {  	[hbm4b:s26+s2] =	stream.linear.scatter [tilespmem:s9], [sflag:$0x3], $0x800, $0x38;
	[tilespmem:$0x11A00] =	vst v63  }
0xbd: {  	_ =	swait.ge [sflag:s8], $0x800  }
0xbe: {  	[sflag:s8] =	ssyncset.done $0x0  }
0xbf: {  	[sflag:s8] =	ssyncadd.s32 $0xFFFFF800  }
0xc0: {  	[tilespmem:s7], [sflag:$0x3] =	stream.linear.gather [spmem:s23], $0x2000, $0x38;
	[tilespmem:$0x11A00] =	vst v63  }
0xc1: {  	_ =	swait.ge [sflag:s8], $0x2000  }
0xc2: {  	[sflag:s8] =	ssyncset.done $0x0  }
0xc3: {  	s29 =	rddreg [dreg:$0x7];
	[sflag:s8] =	ssyncadd.s32 $0xFFFFE000  }
0xc4: {  	[hbm4b:s29+s2] =	stream.linear.scatter [tilespmem:s7], [sflag:$0x3], $0x2000, $0x38;
	[tilespmem:$0x11A00] =	vst v63  }
0xc5: {  	_ =	swait.ge [sflag:s8], $0x2000  }
0xc6: {  	[sflag:s8] =	ssyncset.done $0x0  }
0xc7: {  	s31 =	rddreg [dreg:$0x18];
	[sflag:s8] =	ssyncadd.s32 $0xFFFFE000  }
0xc8: {  	[tilespmem:s9], [sflag:$0x3] =	stream.linear.gather [spmem:s31], $0x800, $0x38;
	[tilespmem:$0x11A00] =	vst v63  }
0xc9: {  	_ =	swait.ge [sflag:s8], $0x800  }
0xca: {  	[sflag:s8] =	ssyncset.done $0x0  }
0xcb: {  	s11 =	rddreg [dreg:$0xb];
	[sflag:s8] =	ssyncadd.s32 $0xFFFFF800  }
0xcc: {  	[hbm4b:s11+s2] =	stream.linear.scatter [tilespmem:s9], [sflag:$0x3], $0x800, $0x38;
	[tilespmem:$0x11A00] =	vst v63  }
0xcd: {  	_ =	swait.ge [sflag:s8], $0x800  }
0xce: {  	[sflag:s8] =	ssyncset.done $0x0  }
0xcf: {  	[sflag:s8] =	ssyncadd.s32 $0xFFFFF800  }
0xd0: {  	[tilespmem:s7], [sflag:$0x3] =	stream.linear.gather [spmem:s25], $0x2000, $0x38;
	[tilespmem:$0x11A00] =	vst v63  }
0xd1: {  	_ =	swait.ge [sflag:s8], $0x2000  }
0xd2: {  	[sflag:s8] =	ssyncset.done $0x0  }
0xd3: {  	s26 =	rddreg [dreg:$0x8];
	[sflag:s8] =	ssyncadd.s32 $0xFFFFE000  }
0xd4: {  	[hbm4b:s26+s2] =	stream.linear.scatter [tilespmem:s7], [sflag:$0x3], $0x2000, $0x38;
	[tilespmem:$0x11A00] =	vst v63  }
0xd5: {  	_ =	swait.ge [sflag:s8], $0x2000  }
0xd6: {  	[sflag:s8] =	ssyncset.done $0x0  }
0xd7: {  	[sflag:s8] =	ssyncadd.s32 $0xFFFFE000  }
0xd8: {  	[tilespmem:s9], [sflag:$0x3] =	stream.linear.gather [spmem:s3], $0x800, $0x38;
	[tilespmem:$0x11A00] =	vst v63  }
0xd9: {  	_ =	swait.ge [sflag:s8], $0x800  }
0xda: {  	[sflag:s8] =	ssyncset.done $0x0  }
0xdb: {  	s29 =	rddreg [dreg:$0xc];
	[sflag:s8] =	ssyncadd.s32 $0xFFFFF800  }
0xdc: {  	[hbm4b:s29+s2] =	stream.linear.scatter [tilespmem:s9], [sflag:$0x3], $0x800, $0x38;
	[tilespmem:$0x11A00] =	vst v63  }
0xdd: {  	_ =	swait.ge [sflag:s8], $0x800  }
0xde: {  	[sflag:s8] =	ssyncset.done $0x0  }
0xdf: {  	[sflag:s8] =	ssyncadd.s32 $0xFFFFF800  }
0xe0: {  	[tilespmem:s7], [sflag:$0x3] =	stream.linear.gather [spmem:s28], $0x2000, $0x38;
	[tilespmem:$0x11A00] =	vst v63  }
0xe1: {  	_ =	swait.ge [sflag:s8], $0x2000  }
0xe2: {  	[sflag:s8] =	ssyncset.done $0x0  }
0xe3: {  	s31 =	rddreg [dreg:$0x9];
	[sflag:s8] =	ssyncadd.s32 $0xFFFFE000  }
0xe4: {  	[hbm4b:s31+s2] =	stream.linear.scatter [tilespmem:s7], [sflag:$0x3], $0x2000, $0x38;
	[tilespmem:$0x11A00] =	vst v63  }
0xe5: {  	_ =	swait.ge [sflag:s8], $0x2000  }
0xe6: {  	[sflag:s8] =	ssyncset.done $0x0  }
0xe7: {  	[sflag:s8] =	ssyncadd.s32 $0xFFFFE000  }
0xe8: {  	[tilespmem:s9], [sflag:$0x3] =	stream.linear.gather [spmem:s4], $0x800, $0x38;
	[tilespmem:$0x11A00] =	vst v63  }
0xe9: {  	_ =	swait.ge [sflag:s8], $0x800  }
0xea: {  	[sflag:s8] =	ssyncset.done $0x0  }
0xeb: {  	s11 =	rddreg [dreg:$0xd];
	[sflag:s8] =	ssyncadd.s32 $0xFFFFF800  }
0xec: {  	[hbm4b:s11+s2] =	stream.linear.scatter [tilespmem:s9], [sflag:$0x3], $0x800, $0x38;
	[tilespmem:$0x11A00] =	vst v63  }
0xed: {  	_ =	swait.ge [sflag:s8], $0x800  }
0xee: {  	[sflag:s8] =	ssyncset.done $0x0  }
0xef: {  	[sflag:s8] =	ssyncadd.s32 $0xFFFFF800  }
0xf0: {  	[tilespmem:s7], [sflag:$0x3] =	stream.linear.gather [spmem:s30], $0x2000, $0x38;
	[tilespmem:$0x11A00] =	vst v63  }
0xf1: {  	_ =	swait.ge [sflag:s8], $0x2000  }
0xf2: {  	[sflag:s8] =	ssyncset.done $0x0  }
0xf3: {  	s26 =	rddreg [dreg:$0xa];
	[sflag:s8] =	ssyncadd.s32 $0xFFFFE000  }
0xf4: {  	[hbm4b:s26+s2] =	stream.linear.scatter [tilespmem:s7], [sflag:$0x3], $0x2000, $0x38;
	[tilespmem:$0x11A00] =	vst v63  }
0xf5: {  	_ =	swait.ge [sflag:s8], $0x2000  }
0xf6: {  	[sflag:s8] =	ssyncset.done $0x0  }
0xf7: {  	[sflag:s8] =	ssyncadd.s32 $0xFFFFE000  }
0xf8: {  	[tilespmem:s9], [sflag:$0x3] =	stream.linear.gather [spmem:s5], $0x800, $0x38;
	[tilespmem:$0x11A00] =	vst v63  }
0xf9: {  	_ =	swait.ge [sflag:s8], $0x800  }
0xfa: {  	[sflag:s8] =	ssyncset.done $0x0  }
0xfb: {  	s29 =	rddreg [dreg:$0xe];
	[sflag:s8] =	ssyncadd.s32 $0xFFFFF800  }
0xfc: {  	[hbm4b:s29+s2] =	stream.linear.scatter [tilespmem:s9], [sflag:$0x3], $0x800, $0x38;
	[tilespmem:$0x11A00] =	vst v63  }
0xfd: {  	_ =	swait.ge [sflag:s8], $0x800  }
0xfe: {  	s24 =	sadd.s32 $0x1, s24;
	s31 =	rddreg [dreg:$0xf]  }
0xff: {  	p0 =	sne.s32 s24, s31  }
.Ltmp3:
0x100: {  	_ = 	snop;
	(pc) =	sbr.rel @p0 .LBB2_1-.Ltmp3, $3  }
0x101: {  	_ =	sdelay $0x1  }
0x102: {  	[sflag:s8] =	ssyncset.done $0x0  }
0x103: {  	[sflag:s8] =	ssyncadd.s32 $0xFFFFF800  }
0x104: {  	_ =	sfence.sel $0x180000  }
0x105: {  	[bflag:$0x0] =	sbarrier.arrive $0xFFFF  }
0x106: {  	_ =	strace $0x90000047  }
0x107: {  	s0 =	stileid.u32;
	[bflag:$0x2] =	sbarrier.arrive $0xFFFF  }
0x108: {  	p0 =	sne.s32 s0, $0x0;
	s0 =	rddreg [dreg:$0x4]  }
0x109: {  	s0 =	sadd.s32 @!p0 $0x100000, s0  }
0x10a: {  	[sflag:s0] =	ssyncadd.tile.s32 @!p0 $0x1;
	_ =	shalt  }
.Lfunc_end2:
_tile_overlayer_lowered:
.L_overlay_start_2:
0x10b: {  	(tag) =	ssettag $0x2  }
0x10c: {  	s0 =	rddreg [dreg:$0x0];
	s2 =	stileid.u32  }
0x10d: {  	s1 =	rddreg [dreg:$0x1];
	p0 =	sne.s32 s2, $0x0  }
0x10e: {  	s3 =	rddreg [dreg:$0x2];
	[bflag:$0x3] =	sbarrier.arrive $0xFFFF;
	s2 =	simm.s32 @!p0 $0x1C03  }
0x10f: {  	[timem:s3], [sflag:s2] =	dma.local @!p0 [hbm:s0], s1  }
0x110: {  	s0 =	simm.s32 @!p0 $0x3  }
0x111: {  	_ =	swait.ge @!p0 [sflag:s0], s1  }
0x112: {  	s1 =	ssub.s32 @!p0 $0x0, s1;
	[sflag:s0] =	ssyncset.done @!p0 $0x0  }
0x113: {  	[sflag:s0] =	ssyncadd.s32 @!p0 s1  }
0x114: {  	[bflag:$0x3] =	sbarrier.arrive $0xFFFF  }
0x115: {  	_ =	shalt  }

</sc_bundles>
